<compile_context>
chip_gen: v7x
topology: tpu7x:2x2x1
jax: 0.10.2.dev20260603
libtpu: 0.0.44.dev20260713+nightly
codegen_flags: <defaults>
</compile_context>

<pallas_src>
import functools

import jax
import jax.numpy as jnp
from jax import lax
from jax.experimental import pallas as pl
from jax.experimental.pallas import tpu as pltpu
from jax.experimental.pallas import tpu_sc as plsc

S, N, F, C, E = 12, 10000, 128, 128, 320000
EPS = 1e-5

T1_BLK = 1000
NBLK = 400
NB = N // NBLK

CH = 100
NW = 32
EPT = E // NW
CPT = EPT // CH
NPANEL = 5
PANEL = CPT // NPANEL
ASTRIDE = 624
NPAD = 10240


def _t1_body(x_ref, wt_ref, bt_ref, z_ref, st_ref):
    i = pl.program_id(0)
    z = jnp.dot(x_ref[...], wt_ref[...], preferred_element_type=jnp.float32)
    z = z + bt_ref[...]
    z_ref[...] = z
    s1 = jnp.sum(z, axis=0, keepdims=True)
    s2 = jnp.sum(z * z, axis=0, keepdims=True)
    st = jnp.concatenate([s1, s2], axis=0)

    @pl.when(i == 0)
    def _():
        st_ref[...] = st

    @pl.when(i > 0)
    def _():
        st_ref[...] += st


def _t1_call(xr, wt_t, bt):
    return pl.pallas_call(
        _t1_body,
        grid=(S * N // T1_BLK,),
        in_specs=[
            pl.BlockSpec((T1_BLK, F), lambda i: (i, 0)),
            pl.BlockSpec((F, C), lambda i: (0, 0)),
            pl.BlockSpec((1, C), lambda i: (0, 0)),
        ],
        out_specs=[
            pl.BlockSpec((T1_BLK, C), lambda i: (i, 0)),
            pl.BlockSpec((2, C), lambda i: (0, 0)),
        ],
        out_shape=[
            jax.ShapeDtypeStruct((S * N, C), jnp.float32),
            jax.ShapeDtypeStruct((2, C), jnp.float32),
        ],
    )(xr, wt_t, bt)


def _t2_body(z_ref, sc_ref, sh_ref, wg_ref, degt_ref, g_ref):
    zn = jnp.maximum(z_ref[0] * sc_ref[...] + sh_ref[...], 0.0)
    h = jnp.dot(zn, wg_ref[...], preferred_element_type=jnp.float32)
    dinv = lax.rsqrt(degt_ref[:, :1])
    g_ref[0] = h * dinv


def _t2_call(z3, scale, shift, wg, degt):
    return pl.pallas_call(
        _t2_body,
        grid=(S, NB),
        in_specs=[
            pl.BlockSpec((1, NBLK, C), lambda s, n: (s, n, 0)),
            pl.BlockSpec((1, C), lambda s, n: (0, 0)),
            pl.BlockSpec((1, C), lambda s, n: (0, 0)),
            pl.BlockSpec((C, C), lambda s, n: (0, 0)),
            pl.BlockSpec((NBLK, 16), lambda s, n: (n, 0)),
        ],
        out_specs=pl.BlockSpec((1, NBLK, C), lambda s, n: (s, n, 0)),
        out_shape=jax.ShapeDtypeStruct((S, N, C), jnp.float32),
    )(z3, scale, shift, wg, degt)


def _t3_body(agg_ref, g_ref, degt_ref, bg_ref, p_ref, st_ref):
    nb = pl.program_id(1)
    a = agg_ref[0, 0] + agg_ref[1, 0] + g_ref[0]
    dinv = lax.rsqrt(degt_ref[:, :1])
    p = a * dinv + bg_ref[...]
    p_ref[0] = p
    s1 = jnp.sum(p, axis=0, keepdims=True)
    s2 = jnp.sum(p * p, axis=0, keepdims=True)
    st = jnp.concatenate([s1, s2], axis=0)[None]

    @pl.when(nb == 0)
    def _():
        st_ref[...] = st

    @pl.when(nb > 0)
    def _():
        st_ref[...] += st


def _t3_call(agg, g3, degt, bg):
    return pl.pallas_call(
        _t3_body,
        grid=(S, NB),
        in_specs=[
            pl.BlockSpec((2, 1, NBLK, C), lambda s, n: (0, s, n, 0)),
            pl.BlockSpec((1, NBLK, C), lambda s, n: (s, n, 0)),
            pl.BlockSpec((NBLK, 16), lambda s, n: (n, 0)),
            pl.BlockSpec((1, C), lambda s, n: (0, 0)),
        ],
        out_specs=[
            pl.BlockSpec((1, NBLK, C), lambda s, n: (s, n, 0)),
            pl.BlockSpec((1, 2, C), lambda s, n: (s, 0, 0)),
        ],
        out_shape=[
            jax.ShapeDtypeStruct((S, N, C), jnp.float32),
            jax.ShapeDtypeStruct((S, 2, C), jnp.float32),
        ],
    )(agg, g3, degt, bg)


def _t4_body(p_ref, sc_ref, sh_ref, o_ref):
    o_ref[0] = jnp.maximum(p_ref[0] * sc_ref[0] + sh_ref[0], 0.0)


def _t4_call(p3, scale2, shift2):
    return pl.pallas_call(
        _t4_body,
        grid=(S, NB),
        in_specs=[
            pl.BlockSpec((1, NBLK, C), lambda s, n: (s, n, 0)),
            pl.BlockSpec((1, 1, C), lambda s, n: (s, 0, 0)),
            pl.BlockSpec((1, 1, C), lambda s, n: (s, 0, 0)),
        ],
        out_specs=pl.BlockSpec((1, NBLK, C), lambda s, n: (s, n, 0)),
        out_shape=jax.ShapeDtypeStruct((S, N, C), jnp.float32),
    )(p3, scale2, shift2)


NC, NS = 2, 16
STRIPE16 = NPAD // NS
_SC_MESH = dict(mesh=plsc.VectorSubcoreMesh(core_axis_name="c",
                                            subcore_axis_name="s"))


def _sc_deg_body(dst_ref, ones_ref, zeros_ref, out_ref, onesv, idxv, degsh):
    c = lax.axis_index("c")
    s = lax.axis_index("s")
    wid = c * NS + s
    pltpu.sync_copy(zeros_ref, degsh.at[pl.ds(s * STRIPE16, STRIPE16)])
    pltpu.sync_copy(ones_ref, onesv)
    plsc.subcore_barrier()

    def chunk(i, carry):
        row = wid * CPT + i
        pltpu.sync_copy(dst_ref.at[row, 0], idxv)
        pltpu.sync_copy(onesv, degsh.at[idxv], add=True)
        return carry

    lax.fori_loop(0, CPT, chunk, 0)
    plsc.subcore_barrier()
    pltpu.sync_copy(degsh.at[pl.ds(s * STRIPE16, STRIPE16)],
                    out_ref.at[c, pl.ds(s * STRIPE16, STRIPE16)])


def _sc_deg_call(dst2d, ones, zeros):
    return pl.kernel(
        _sc_deg_body,
        out_type=jax.ShapeDtypeStruct((NC, NPAD, C), jnp.float32),
        scratch_types=[
            pltpu.VMEM((CH, C), jnp.float32),
            pltpu.VMEM((CH,), jnp.int32),
            pltpu.VMEM_SHARED((NPAD, C), jnp.float32),
        ],
        **_SC_MESH,
    )(dst2d, ones, zeros)


def _sc_agg_body(g_ref, srcoff_ref, dst_ref, zeros_ref, out_ref,
                 srcv, dstv, rows0, rows1, rows2, aggsh, gsem,
                 ssem0, ssem1, ssem2):
    c = lax.axis_index("c")
    s = lax.axis_index("s")
    wid = c * NS + s

    bufs = (rows0, rows1, rows2)
    ssems = (ssem0, ssem1, ssem2)

    def per_t(t, carry):
        pltpu.sync_copy(zeros_ref, aggsh.at[pl.ds(s * ASTRIDE, STRIPE16)])
        plsc.subcore_barrier()

        def panel(q, carry2):
            base = wid * CPT + q * PANEL
            pltpu.sync_copy(srcoff_ref.at[t, pl.ds(base, PANEL), 0], srcv)
            pltpu.sync_copy(dst_ref.at[pl.ds(base, PANEL), 0], dstv)
            pltpu.async_copy(g_ref.at[srcv.at[0]], rows0, gsem)
            pltpu.async_copy(g_ref.at[srcv.at[1]], rows1, gsem)

            def chunk(i, carry3):
                def _do(k):
                    rbuf, nbuf = bufs[k], bufs[(k + 2) % 3]
                    pltpu.make_async_copy(g_ref.at[srcv.at[i]], rbuf,
                                          gsem).wait()
                    pltpu.async_copy(rbuf, aggsh.at[dstv.at[i]], ssems[k],
                                     add=True)

                    @pl.when(i >= 1)
                    def _():
                        pltpu.make_async_copy(
                            rows0, aggsh.at[dstv.at[i]],
                            ssems[(k + 2) % 3]).wait()

                    @pl.when(i + 2 < PANEL)
                    def _():
                        pltpu.async_copy(g_ref.at[srcv.at[i + 2]], nbuf, gsem)

                for k in range(3):
                    @pl.when(lax.rem(i, 3) == k)
                    def _(k=k):
                        _do(k)

                return carry3

            lax.fori_loop(0, PANEL, chunk, 0)
            pltpu.make_async_copy(rows0, aggsh.at[dstv.at[0]],
                                  ssems[(PANEL - 1) % 3]).wait()
            return carry2

        lax.fori_loop(0, NPANEL, panel, 0)
        plsc.subcore_barrier()
        pltpu.sync_copy(aggsh.at[pl.ds(s * ASTRIDE, STRIPE16)],
                        out_ref.at[c, t, pl.ds(s * ASTRIDE, STRIPE16)])
        plsc.subcore_barrier()
        return carry

    lax.fori_loop(0, S, per_t, 0)


def _sc_agg_call(gflat, srcoff, dst2d, zeros):
    return pl.kernel(
        _sc_agg_body,
        out_type=jax.ShapeDtypeStruct((NC, S, N, C), jnp.float32),
        scratch_types=[
            pltpu.VMEM((PANEL, CH), jnp.int32),
            pltpu.VMEM((PANEL, CH), jnp.int32),
            pltpu.VMEM((CH, C), jnp.float32),
            pltpu.VMEM((CH, C), jnp.float32),
            pltpu.VMEM((CH, C), jnp.float32),
            pltpu.VMEM_SHARED((N, C), jnp.float32),
            pltpu.SemaphoreType.DMA,
            pltpu.SemaphoreType.DMA,
            pltpu.SemaphoreType.DMA,
            pltpu.SemaphoreType.DMA,
        ],
        **_SC_MESH,
    )(gflat, srcoff, dst2d, zeros)


def kernel(x, edge_index, Wt, bt, gamma_t, beta_t, Wg, bg, gamma_s, beta_s):
    xr = x.reshape(S * N, F)
    src = edge_index[0]
    dst = edge_index[1]
    dst2d = dst.reshape(E // CH, 1, CH)
    srcoff = (src[None] + (jnp.arange(S, dtype=jnp.int32) * N)[:, None]
              ).reshape(S, E // CH, 1, CH)
    onesC = jnp.ones((CH, C), jnp.float32)
    zerosC = jnp.zeros((STRIPE16, C), jnp.float32)

    deg2 = _sc_deg_call(dst2d, onesC, zerosC)
    degt = deg2[0, :N, :16] + deg2[1, :N, :16] + 1.0

    z, st = _t1_call(xr, Wt.T, bt[None])
    mu = st[0] / (S * N)
    var = st[1] / (S * N) - mu * mu
    rstd = lax.rsqrt(var + EPS)
    scale = (gamma_t * rstd)[None]
    shift = (beta_t - mu * rstd * gamma_t)[None]

    g3 = _t2_call(z.reshape(S, N, C), scale, shift, Wg, degt)

    agg = _sc_agg_call(g3.reshape(S * N, C), srcoff, dst2d, zerosC)

    p3, st2 = _t3_call(agg, g3, degt, bg[None])
    mu2 = st2[:, 0] / N
    var2 = st2[:, 1] / N - mu2 * mu2
    rstd2 = lax.rsqrt(var2 + EPS)
    scale2 = (gamma_s[None] * rstd2)[:, None]
    shift2 = (beta_s[None] - mu2 * rstd2 * gamma_s[None])[:, None]

    out = _t4_call(p3, scale2, shift2)
    return out.reshape(1, S, N, C)

# --- scband reference (transcript-rebuilt; emitter-appended) ---
"""Pipeline reference for scband-stgcnblock-90520730730508 (READ-ONLY COPY).

The authoritative reference and input builder live on the scoring server;
editing this copy changes nothing except your own understanding.
"""

import jax, jax.numpy as jnp
import numpy as np

B, S, N, F, C, E = 1, 12, 10000, 128, 128, 320000

def setup_inputs(seed: int = 0):
    key = jax.random.key(seed)
    ks = jax.random.split(key, 10)
    x = jax.random.normal(ks[0], (B, S, N, F), dtype=jnp.float32)
    edge_index = jax.random.randint(ks[1], (2, E), 0, N, dtype=jnp.int32)
    Wt = jax.random.normal(ks[2], (C, F), dtype=jnp.float32) / np.sqrt(F)
    bt = jax.random.normal(ks[3], (C,), dtype=jnp.float32) * 0.01
    gamma_t = jnp.ones((C,), dtype=jnp.float32)
    beta_t = jnp.zeros((C,), dtype=jnp.float32)
    Wg = jax.random.normal(ks[4], (C, C), dtype=jnp.float32) / np.sqrt(C)
    bg = jax.random.normal(ks[5], (C,), dtype=jnp.float32) * 0.01
    gamma_s = jnp.ones((C,), dtype=jnp.float32)
    beta_s = jnp.zeros((C,), dtype=jnp.float32)
    return {"x": x, "edge_index": edge_index, "Wt": Wt, "bt": bt, "gamma_t": gamma_t, "beta_t": beta_t, "Wg": Wg, "bg": bg, "gamma_s": gamma_s, "beta_s": beta_s}

def reference(x, edge_index, Wt, bt, gamma_t, beta_t, Wg, bg, gamma_s, beta_s):
    eps = 1e-5
    Bv, Sv, Nv, Fv = x.shape
    Cv = Wt.shape[0]
    # TemporalConv (kernel_size=1 -> pointwise conv over channels)
    xr = jnp.transpose(x, (0, 2, 3, 1)).reshape(Bv * Nv, Fv, Sv)  # [B*N, F, S]
    y = jnp.einsum('of,nfs->nos', Wt, xr) + bt[None, :, None]
    mu = jnp.mean(y, axis=(0, 2))
    var = jnp.var(y, axis=(0, 2))
    y = (y - mu[None, :, None]) / jnp.sqrt(var + eps)[None, :, None] * gamma_t[None, :, None] + beta_t[None, :, None]
    y = jax.nn.relu(y)  # dropout is identity (eval semantics)
    y = y.reshape(Bv, Nv, Cv, Sv).transpose(0, 3, 1, 2)  # [B, S, N, C]
    # GCN normalization (symmetric, with self-loops), computed once
    M = Bv * Nv
    src = edge_index[0]
    dst = edge_index[1]
    loop = jnp.arange(M, dtype=src.dtype)
    src_all = jnp.concatenate([src, loop])
    dst_all = jnp.concatenate([dst, loop])
    ones = jnp.ones(src_all.shape[0], dtype=x.dtype)
    deg = jax.ops.segment_sum(ones, dst_all, num_segments=M)
    dinv = jnp.where(deg > 0, 1.0 / jnp.sqrt(deg), 0.0)
    coef = dinv[src_all] * dinv[dst_all]
    outs = []
    for t in range(Sv):
        h = y[:, t].reshape(M, Cv)
        h = h @ Wg  # GCN linear
        msg = h[src_all] * coef[:, None]  # edge gather (memory bound)
        agg = jax.ops.segment_sum(msg, dst_all, num_segments=M) + bg[None, :]  # scatter-add
        m2 = jnp.mean(agg, axis=0)
        v2 = jnp.var(agg, axis=0)
        hn = (agg - m2[None, :]) / jnp.sqrt(v2 + eps)[None, :] * gamma_s[None, :] + beta_s[None, :]
        hn = jax.nn.relu(hn)
        outs.append(hn.reshape(Bv, Nv, Cv))
    out = jnp.stack(outs, axis=1)  # [B, S, N, C]
    # residual is None since in_channels == out_channels
    return out

if __name__ == "__main__":
    import jax
    _d = setup_inputs()
    print(jax.jit(kernel)(*tuple(_d.values())))

</pallas_src>

<mosaic_0001>
#map = affine_map<(d0, d1) -> (0, 0)>
#map1 = affine_map<(d0, d1) -> (0, 0, 0, 0)>
#map2 = affine_map<(d0, d1) -> (0, 0, 0)>
module attributes {stable_mosaic.version = 14 : i64} {
  func.func @_sc_agg_body(%arg0: i32, %arg1: i32, %arg2: memref<120000x128xf32, #tpu.memory_space<hbm>>, %arg3: memref<12x3200x1x100xi32, #tpu.memory_space<hbm>>, %arg4: memref<3200x1x100xi32, #tpu.memory_space<hbm>>, %arg5: memref<640x128xf32, #tpu.memory_space<hbm>>, %arg6: memref<2x12x10000x128xf32, #tpu.memory_space<hbm>>, %arg7: memref<20x100xi32, #tpu.memory_space<vmem>>, %arg8: memref<20x100xi32, #tpu.memory_space<vmem>>, %arg9: memref<100x128xf32, #tpu.memory_space<vmem>>, %arg10: memref<100x128xf32, #tpu.memory_space<vmem>>, %arg11: memref<100x128xf32, #tpu.memory_space<vmem>>, %arg12: memref<10000x128xf32, #tpu.memory_space<vmem_shared>>, %arg13: memref<!tpu.dma_semaphore, #tpu.memory_space<semaphore_mem>>, %arg14: memref<!tpu.dma_semaphore, #tpu.memory_space<semaphore_mem>>, %arg15: memref<!tpu.dma_semaphore, #tpu.memory_space<semaphore_mem>>, %arg16: memref<!tpu.dma_semaphore, #tpu.memory_space<semaphore_mem>>) attributes {dimension_semantics = [#tpu.dimension_semantics<core_parallel>, #tpu.dimension_semantics<subcore_parallel>], iteration_bounds = array<i64: 2, 16>, scalar_prefetch = 0 : i64, scratch_operands = 10 : i64, tpu.core_type = #tpu.core_type<sc_vector_subcore>, window_params = [{transform_indices = #map}, {transform_indices = #map1}, {transform_indices = #map2}, {transform_indices = #map}, {transform_indices = #map1}]} {
    %mul3A = arith.constant 16 : i32
    %mul3A_0 = arith.muli %arg0, %mul3A : i32
    %add3A = arith.addi %mul3A_0, %arg1 : i32
    %scan3A = arith.constant 0 : i32
    %scan3A_1 = arith.constant 0 : i32
    %scan3A_2 = arith.constant 12 : i32
    %scan3A_3 = arith.addi %scan3A_1, %scan3A_2 : i32
    %scan3A_4 = arith.constant 1 : i32
    scf.for %scan3A_6 = %scan3A_1 to %scan3A_3 step %scan3A_4  : i32 {
      %mul3A_7 = arith.constant 624 : i32
      %mul3A_8 = arith.muli %arg1, %mul3A_7 : i32
      "tpu.region"() ({
        %run_scoped3A = tpu.sem_alloc : memref<!tpu.dma_semaphore, #tpu.memory_space<semaphore_mem>>
        %dma_start3A = arith.constant 0 : i32
        %dma_start3A_21 = tpu.memref_slice %arg12[%mul3A_8, %dma_start3A] : memref<10000x128xf32, #tpu.memory_space<vmem_shared>> -> memref<640x128xf32, #tpu.memory_space<vmem_shared>>
        tpu.enqueue_dma source(%arg5 : memref<640x128xf32, #tpu.memory_space<hbm>>) target(%dma_start3A_21 : memref<640x128xf32, #tpu.memory_space<vmem_shared>>) target_semaphore(%run_scoped3A : memref<!tpu.dma_semaphore, #tpu.memory_space<semaphore_mem>>)
        %dma_wait3A = arith.constant 0 : i32
        %dma_wait3A_22 = tpu.memref_slice %arg12[%mul3A_8, %dma_wait3A] : memref<10000x128xf32, #tpu.memory_space<vmem_shared>> -> memref<640x128xf32, #tpu.memory_space<vmem_shared>>
        tpu.wait_dma2 semaphore(%run_scoped3A : memref<!tpu.dma_semaphore, #tpu.memory_space<semaphore_mem>>) src(%arg5 : memref<640x128xf32, #tpu.memory_space<hbm>>) dst(%dma_wait3A_22 : memref<640x128xf32, #tpu.memory_space<vmem_shared>>)
        tpu.yield
      }) : () -> ()
      %barrier3A = arith.constant 0 : index
      tpu.barrier barrier_id(%barrier3A)
      %scan3A_9 = arith.constant 0 : i32
      %scan3A_10 = arith.constant 0 : i32
      %scan3A_11 = arith.constant 5 : i32
      %scan3A_12 = arith.addi %scan3A_10, %scan3A_11 : i32
      %scan3A_13 = arith.constant 1 : i32
      scf.for %scan3A_21 = %scan3A_10 to %scan3A_12 step %scan3A_13  : i32 {
        %mul3A_22 = arith.constant 100 : i32
        %mul3A_23 = arith.muli %add3A, %mul3A_22 : i32
        %mul3A_24 = arith.constant 20 : i32
        %mul3A_25 = arith.muli %scan3A_21, %mul3A_24 : i32
        %add3A_26 = arith.addi %mul3A_23, %mul3A_25 : i32
        %run_scoped3A = arith.constant 0 : i32
        "tpu.region"() ({
          %run_scoped3A_53 = tpu.sem_alloc : memref<!tpu.dma_semaphore, #tpu.memory_space<semaphore_mem>>
          %dma_start3A_54 = arith.constant 0 : i32
          %dma_start3A_55 = tpu.memref_slice %arg3[%scan3A_6, %add3A_26, %run_scoped3A, %dma_start3A_54] : memref<12x3200x1x100xi32, #tpu.memory_space<hbm>> -> memref<1x20x1x100xi32, #tpu.memory_space<hbm>>
          %dma_start3A_56 = tpu.memref_squeeze %dma_start3A_55 : memref<1x20x1x100xi32, #tpu.memory_space<hbm>> -> memref<20x100xi32, #tpu.memory_space<hbm>>
          %dma_start3A_57 = arith.constant 0 : i32
          %dma_start3A_58 = tpu.memref_slice %arg3[%scan3A_6, %add3A_26, %run_scoped3A, %dma_start3A_57] : memref<12x3200x1x100xi32, #tpu.memory_space<hbm>> -> memref<1x20x1x100xi32, #tpu.memory_space<hbm>>
          %dma_start3A_59 = tpu.memref_squeeze %dma_start3A_58 : memref<1x20x1x100xi32, #tpu.memory_space<hbm>> -> memref<20x100xi32, #tpu.memory_space<hbm>>
          tpu.enqueue_dma source(%dma_start3A_59 : memref<20x100xi32, #tpu.memory_space<hbm>>) target(%arg7 : memref<20x100xi32, #tpu.memory_space<vmem>>) target_semaphore(%run_scoped3A_53 : memref<!tpu.dma_semaphore, #tpu.memory_space<semaphore_mem>>)
          %dma_wait3A_60 = arith.constant 0 : i32
          %dma_wait3A_61 = tpu.memref_slice %arg3[%scan3A_6, %add3A_26, %run_scoped3A, %dma_wait3A_60] : memref<12x3200x1x100xi32, #tpu.memory_space<hbm>> -> memref<1x20x1x100xi32, #tpu.memory_space<hbm>>
          %dma_wait3A_62 = tpu.memref_squeeze %dma_wait3A_61 : memref<1x20x1x100xi32, #tpu.memory_space<hbm>> -> memref<20x100xi32, #tpu.memory_space<hbm>>
          %dma_wait3A_63 = arith.constant 0 : i32
          %dma_wait3A_64 = tpu.memref_slice %arg3[%scan3A_6, %add3A_26, %run_scoped3A, %dma_wait3A_63] : memref<12x3200x1x100xi32, #tpu.memory_space<hbm>> -> memref<1x20x1x100xi32, #tpu.memory_space<hbm>>
          %dma_wait3A_65 = tpu.memref_squeeze %dma_wait3A_64 : memref<1x20x1x100xi32, #tpu.memory_space<hbm>> -> memref<20x100xi32, #tpu.memory_space<hbm>>
          tpu.wait_dma2 semaphore(%run_scoped3A_53 : memref<!tpu.dma_semaphore, #tpu.memory_space<semaphore_mem>>) src(%dma_wait3A_65 : memref<20x100xi32, #tpu.memory_space<hbm>>) dst(%arg7 : memref<20x100xi32, #tpu.memory_space<vmem>>)
          tpu.yield
        }) : () -> ()
        %run_scoped3A_27 = arith.constant 0 : i32
        "tpu.region"() ({
          %run_scoped3A_53 = tpu.sem_alloc : memref<!tpu.dma_semaphore, #tpu.memory_space<semaphore_mem>>
          %dma_start3A_54 = arith.constant 0 : i32
          %dma_start3A_55 = tpu.memref_slice %arg4[%add3A_26, %run_scoped3A_27, %dma_start3A_54] : memref<3200x1x100xi32, #tpu.memory_space<hbm>> -> memref<20x1x100xi32, #tpu.memory_space<hbm>>
          %dma_start3A_56 = tpu.memref_squeeze %dma_start3A_55 : memref<20x1x100xi32, #tpu.memory_space<hbm>> -> memref<20x100xi32, #tpu.memory_space<hbm>>
          %dma_start3A_57 = arith.constant 0 : i32
          %dma_start3A_58 = tpu.memref_slice %arg4[%add3A_26, %run_scoped3A_27, %dma_start3A_57] : memref<3200x1x100xi32, #tpu.memory_space<hbm>> -> memref<20x1x100xi32, #tpu.memory_space<hbm>>
          %dma_start3A_59 = tpu.memref_squeeze %dma_start3A_58 : memref<20x1x100xi32, #tpu.memory_space<hbm>> -> memref<20x100xi32, #tpu.memory_space<hbm>>
          tpu.enqueue_dma source(%dma_start3A_59 : memref<20x100xi32, #tpu.memory_space<hbm>>) target(%arg8 : memref<20x100xi32, #tpu.memory_space<vmem>>) target_semaphore(%run_scoped3A_53 : memref<!tpu.dma_semaphore, #tpu.memory_space<semaphore_mem>>)
          %dma_wait3A_60 = arith.constant 0 : i32
          %dma_wait3A_61 = tpu.memref_slice %arg4[%add3A_26, %run_scoped3A_27, %dma_wait3A_60] : memref<3200x1x100xi32, #tpu.memory_space<hbm>> -> memref<20x1x100xi32, #tpu.memory_space<hbm>>
          %dma_wait3A_62 = tpu.memref_squeeze %dma_wait3A_61 : memref<20x1x100xi32, #tpu.memory_space<hbm>> -> memref<20x100xi32, #tpu.memory_space<hbm>>
          %dma_wait3A_63 = arith.constant 0 : i32
          %dma_wait3A_64 = tpu.memref_slice %arg4[%add3A_26, %run_scoped3A_27, %dma_wait3A_63] : memref<3200x1x100xi32, #tpu.memory_space<hbm>> -> memref<20x1x100xi32, #tpu.memory_space<hbm>>
          %dma_wait3A_65 = tpu.memref_squeeze %dma_wait3A_64 : memref<20x1x100xi32, #tpu.memory_space<hbm>> -> memref<20x100xi32, #tpu.memory_space<hbm>>
          tpu.wait_dma2 semaphore(%run_scoped3A_53 : memref<!tpu.dma_semaphore, #tpu.memory_space<semaphore_mem>>) src(%dma_wait3A_65 : memref<20x100xi32, #tpu.memory_space<hbm>>) dst(%arg8 : memref<20x100xi32, #tpu.memory_space<vmem>>)
          tpu.yield
        }) : () -> ()
        %dma_start3A = arith.constant 0 : i32
        %dma_start3A_28 = arith.constant 0 : i32
        %dma_start3A_29 = tpu.memref_slice %arg7[%dma_start3A, %dma_start3A_28] : memref<20x100xi32, #tpu.memory_space<vmem>> -> memref<1x100xi32, #tpu.memory_space<vmem>>
        %dma_start3A_30 = tpu.memref_squeeze %dma_start3A_29 : memref<1x100xi32, #tpu.memory_space<vmem>> -> memref<100xi32, #tpu.memory_space<vmem>>
        %dma_start3A_31 = arith.constant 0 : i32
        %dma_start3A_32 = arith.constant 0 : i32
        %dma_start3A_33 = tpu.memref_slice %arg2[%dma_start3A_31, %dma_start3A_32] : memref<120000x128xf32, #tpu.memory_space<hbm>> -> memref<120000x128xf32, #tpu.memory_space<hbm>>
        tpu.enqueue_indirect_dma source(%dma_start3A_33 : memref<120000x128xf32, #tpu.memory_space<hbm>>) target(%arg9 : memref<100x128xf32, #tpu.memory_space<vmem>>) offsets(%dma_start3A_30 : memref<100xi32, #tpu.memory_space<vmem>>) semaphore(%arg13 : memref<!tpu.dma_semaphore, #tpu.memory_space<semaphore_mem>>)
        %dma_start3A_34 = arith.constant 1 : i32
        %dma_start3A_35 = arith.constant 0 : i32
        %dma_start3A_36 = tpu.memref_slice %arg7[%dma_start3A_34, %dma_start3A_35] : memref<20x100xi32, #tpu.memory_space<vmem>> -> memref<1x100xi32, #tpu.memory_space<vmem>>
        %dma_start3A_37 = tpu.memref_squeeze %dma_start3A_36 : memref<1x100xi32, #tpu.memory_space<vmem>> -> memref<100xi32, #tpu.memory_space<vmem>>
        %dma_start3A_38 = arith.constant 0 : i32
        %dma_start3A_39 = arith.constant 0 : i32
        %dma_start3A_40 = tpu.memref_slice %arg2[%dma_start3A_38, %dma_start3A_39] : memref<120000x128xf32, #tpu.memory_space<hbm>> -> memref<120000x128xf32, #tpu.memory_space<hbm>>
        tpu.enqueue_indirect_dma source(%dma_start3A_40 : memref<120000x128xf32, #tpu.memory_space<hbm>>) target(%arg10 : memref<100x128xf32, #tpu.memory_space<vmem>>) offsets(%dma_start3A_37 : memref<100xi32, #tpu.memory_space<vmem>>) semaphore(%arg13 : memref<!tpu.dma_semaphore, #tpu.memory_space<semaphore_mem>>)
        %scan3A_41 = arith.constant 0 : i32
        %scan3A_42 = arith.constant 0 : i32
        %scan3A_43 = arith.constant 20 : i32
        %scan3A_44 = arith.addi %scan3A_42, %scan3A_43 : i32
        %scan3A_45 = arith.constant 1 : i32
        scf.for %scan3A_53 = %scan3A_42 to %scan3A_44 step %scan3A_45  : i32 {
          %rem3A = arith.constant 3 : i32
          %rem3A_54 = arith.remsi %scan3A_53, %rem3A : i32
          %eq3A = arith.constant 0 : i32
          %eq3A_55 = arith.cmpi eq, %rem3A_54, %eq3A : i32
          %convert_element_type3A = arith.extui %eq3A_55 : i1 to i32
          %cond3A = arith.constant 0 : i32
          %cond3A_56 = arith.cmpi ne, %convert_element_type3A, %cond3A : i32
          scf.if %cond3A_56 {
            %dma_wait3A_71 = arith.constant 0 : i32
            %dma_wait3A_72 = tpu.memref_slice %arg7[%scan3A_53, %dma_wait3A_71] : memref<20x100xi32, #tpu.memory_space<vmem>> -> memref<1x100xi32, #tpu.memory_space<vmem>>
            %dma_wait3A_73 = tpu.memref_squeeze %dma_wait3A_72 : memref<1x100xi32, #tpu.memory_space<vmem>> -> memref<100xi32, #tpu.memory_space<vmem>>
            %dma_wait3A_74 = arith.constant 0 : i32
            %dma_wait3A_75 = arith.constant 0 : i32
            %dma_wait3A_76 = tpu.memref_slice %arg2[%dma_wait3A_74, %dma_wait3A_75] : memref<120000x128xf32, #tpu.memory_space<hbm>> -> memref<120000x128xf32, #tpu.memory_space<hbm>>
            tpu.wait_indirect_dma semaphore(%arg13 : memref<!tpu.dma_semaphore, #tpu.memory_space<semaphore_mem>>) src(%dma_wait3A_76 : memref<120000x128xf32, #tpu.memory_space<hbm>>) dst(%arg9 : memref<100x128xf32, #tpu.memory_space<vmem>>)
            %dma_start3A_77 = arith.constant 0 : i32
            %dma_start3A_78 = tpu.memref_slice %arg8[%scan3A_53, %dma_start3A_77] : memref<20x100xi32, #tpu.memory_space<vmem>> -> memref<1x100xi32, #tpu.memory_space<vmem>>
            %dma_start3A_79 = tpu.memref_squeeze %dma_start3A_78 : memref<1x100xi32, #tpu.memory_space<vmem>> -> memref<100xi32, #tpu.memory_space<vmem>>
            %dma_start3A_80 = arith.constant 0 : i32
            %dma_start3A_81 = arith.constant 0 : i32
            %dma_start3A_82 = tpu.memref_slice %arg12[%dma_start3A_80, %dma_start3A_81] : memref<10000x128xf32, #tpu.memory_space<vmem_shared>> -> memref<10000x128xf32, #tpu.memory_space<vmem_shared>>
            tpu.enqueue_indirect_dma source(%arg9 : memref<100x128xf32, #tpu.memory_space<vmem>>) target(%dma_start3A_82 : memref<10000x128xf32, #tpu.memory_space<vmem_shared>>) offsets(%dma_start3A_79 : memref<100xi32, #tpu.memory_space<vmem>>) semaphore(%arg14 : memref<!tpu.dma_semaphore, #tpu.memory_space<semaphore_mem>>) {add = true}
            %ge3A = arith.constant 1 : i32
            %ge3A_83 = arith.cmpi sge, %scan3A_53, %ge3A : i32
            %convert_element_type3A_84 = arith.extui %ge3A_83 : i1 to i32
            %cond3A_85 = arith.constant 0 : i32
            %cond3A_86 = arith.cmpi ne, %convert_element_type3A_84, %cond3A_85 : i32
            scf.if %cond3A_86 {
              %dma_wait3A_93 = arith.constant 0 : i32
              %dma_wait3A_94 = tpu.memref_slice %arg8[%scan3A_53, %dma_wait3A_93] : memref<20x100xi32, #tpu.memory_space<vmem>> -> memref<1x100xi32, #tpu.memory_space<vmem>>
              %dma_wait3A_95 = tpu.memref_squeeze %dma_wait3A_94 : memref<1x100xi32, #tpu.memory_space<vmem>> -> memref<100xi32, #tpu.memory_space<vmem>>
              %dma_wait3A_96 = arith.constant 0 : i32
              %dma_wait3A_97 = arith.constant 0 : i32
              %dma_wait3A_98 = tpu.memref_slice %arg12[%dma_wait3A_96, %dma_wait3A_97] : memref<10000x128xf32, #tpu.memory_space<vmem_shared>> -> memref<10000x128xf32, #tpu.memory_space<vmem_shared>>
              tpu.wait_indirect_dma semaphore(%arg16 : memref<!tpu.dma_semaphore, #tpu.memory_space<semaphore_mem>>) src(%arg9 : memref<100x128xf32, #tpu.memory_space<vmem>>) dst(%dma_wait3A_98 : memref<10000x128xf32, #tpu.memory_space<vmem_shared>>)
            } else {
            }
            %add3A_87 = arith.constant 2 : i32
            %add3A_88 = arith.addi %scan3A_53, %add3A_87 : i32
            %lt3A = arith.constant 20 : i32
            %lt3A_89 = arith.cmpi slt, %add3A_88, %lt3A : i32
            %convert_element_type3A_90 = arith.extui %lt3A_89 : i1 to i32
            %cond3A_91 = arith.constant 0 : i32
            %cond3A_92 = arith.cmpi ne, %convert_element_type3A_90, %cond3A_91 : i32
            scf.if %cond3A_92 {
              %add3A_93 = arith.constant 2 : i32
              %add3A_94 = arith.addi %scan3A_53, %add3A_93 : i32
              %dma_start3A_95 = arith.constant 0 : i32
              %dma_start3A_96 = tpu.memref_slice %arg7[%add3A_94, %dma_start3A_95] : memref<20x100xi32, #tpu.memory_space<vmem>> -> memref<1x100xi32, #tpu.memory_space<vmem>>
              %dma_start3A_97 = tpu.memref_squeeze %dma_start3A_96 : memref<1x100xi32, #tpu.memory_space<vmem>> -> memref<100xi32, #tpu.memory_space<vmem>>
              %dma_start3A_98 = arith.constant 0 : i32
              %dma_start3A_99 = arith.constant 0 : i32
              %dma_start3A_100 = tpu.memref_slice %arg2[%dma_start3A_98, %dma_start3A_99] : memref<120000x128xf32, #tpu.memory_space<hbm>> -> memref<120000x128xf32, #tpu.memory_space<hbm>>
              tpu.enqueue_indirect_dma source(%dma_start3A_100 : memref<120000x128xf32, #tpu.memory_space<hbm>>) target(%arg11 : memref<100x128xf32, #tpu.memory_space<vmem>>) offsets(%dma_start3A_97 : memref<100xi32, #tpu.memory_space<vmem>>) semaphore(%arg13 : memref<!tpu.dma_semaphore, #tpu.memory_space<semaphore_mem>>)
            } else {
            }
          } else {
          }
          %rem3A_57 = arith.constant 3 : i32
          %rem3A_58 = arith.remsi %scan3A_53, %rem3A_57 : i32
          %eq3A_59 = arith.constant 1 : i32
          %eq3A_60 = arith.cmpi eq, %rem3A_58, %eq3A_59 : i32
          %convert_element_type3A_61 = arith.extui %eq3A_60 : i1 to i32
          %cond3A_62 = arith.constant 0 : i32
          %cond3A_63 = arith.cmpi ne, %convert_element_type3A_61, %cond3A_62 : i32
          scf.if %cond3A_63 {
            %dma_wait3A_71 = arith.constant 0 : i32
            %dma_wait3A_72 = tpu.memref_slice %arg7[%scan3A_53, %dma_wait3A_71] : memref<20x100xi32, #tpu.memory_space<vmem>> -> memref<1x100xi32, #tpu.memory_space<vmem>>
            %dma_wait3A_73 = tpu.memref_squeeze %dma_wait3A_72 : memref<1x100xi32, #tpu.memory_space<vmem>> -> memref<100xi32, #tpu.memory_space<vmem>>
            %dma_wait3A_74 = arith.constant 0 : i32
            %dma_wait3A_75 = arith.constant 0 : i32
            %dma_wait3A_76 = tpu.memref_slice %arg2[%dma_wait3A_74, %dma_wait3A_75] : memref<120000x128xf32, #tpu.memory_space<hbm>> -> memref<120000x128xf32, #tpu.memory_space<hbm>>
            tpu.wait_indirect_dma semaphore(%arg13 : memref<!tpu.dma_semaphore, #tpu.memory_space<semaphore_mem>>) src(%dma_wait3A_76 : memref<120000x128xf32, #tpu.memory_space<hbm>>) dst(%arg10 : memref<100x128xf32, #tpu.memory_space<vmem>>)
            %dma_start3A_77 = arith.constant 0 : i32
            %dma_start3A_78 = tpu.memref_slice %arg8[%scan3A_53, %dma_start3A_77] : memref<20x100xi32, #tpu.memory_space<vmem>> -> memref<1x100xi32, #tpu.memory_space<vmem>>
            %dma_start3A_79 = tpu.memref_squeeze %dma_start3A_78 : memref<1x100xi32, #tpu.memory_space<vmem>> -> memref<100xi32, #tpu.memory_space<vmem>>
            %dma_start3A_80 = arith.constant 0 : i32
            %dma_start3A_81 = arith.constant 0 : i32
            %dma_start3A_82 = tpu.memref_slice %arg12[%dma_start3A_80, %dma_start3A_81] : memref<10000x128xf32, #tpu.memory_space<vmem_shared>> -> memref<10000x128xf32, #tpu.memory_space<vmem_shared>>
            tpu.enqueue_indirect_dma source(%arg10 : memref<100x128xf32, #tpu.memory_space<vmem>>) target(%dma_start3A_82 : memref<10000x128xf32, #tpu.memory_space<vmem_shared>>) offsets(%dma_start3A_79 : memref<100xi32, #tpu.memory_space<vmem>>) semaphore(%arg15 : memref<!tpu.dma_semaphore, #tpu.memory_space<semaphore_mem>>) {add = true}
            %ge3A = arith.constant 1 : i32
            %ge3A_83 = arith.cmpi sge, %scan3A_53, %ge3A : i32
            %convert_element_type3A_84 = arith.extui %ge3A_83 : i1 to i32
            %cond3A_85 = arith.constant 0 : i32
            %cond3A_86 = arith.cmpi ne, %convert_element_type3A_84, %cond3A_85 : i32
            scf.if %cond3A_86 {
              %dma_wait3A_93 = arith.constant 0 : i32
              %dma_wait3A_94 = tpu.memref_slice %arg8[%scan3A_53, %dma_wait3A_93] : memref<20x100xi32, #tpu.memory_space<vmem>> -> memref<1x100xi32, #tpu.memory_space<vmem>>
              %dma_wait3A_95 = tpu.memref_squeeze %dma_wait3A_94 : memref<1x100xi32, #tpu.memory_space<vmem>> -> memref<100xi32, #tpu.memory_space<vmem>>
              %dma_wait3A_96 = arith.constant 0 : i32
              %dma_wait3A_97 = arith.constant 0 : i32
              %dma_wait3A_98 = tpu.memref_slice %arg12[%dma_wait3A_96, %dma_wait3A_97] : memref<10000x128xf32, #tpu.memory_space<vmem_shared>> -> memref<10000x128xf32, #tpu.memory_space<vmem_shared>>
              tpu.wait_indirect_dma semaphore(%arg14 : memref<!tpu.dma_semaphore, #tpu.memory_space<semaphore_mem>>) src(%arg9 : memref<100x128xf32, #tpu.memory_space<vmem>>) dst(%dma_wait3A_98 : memref<10000x128xf32, #tpu.memory_space<vmem_shared>>)
            } else {
            }
            %add3A_87 = arith.constant 2 : i32
            %add3A_88 = arith.addi %scan3A_53, %add3A_87 : i32
            %lt3A = arith.constant 20 : i32
            %lt3A_89 = arith.cmpi slt, %add3A_88, %lt3A : i32
            %convert_element_type3A_90 = arith.extui %lt3A_89 : i1 to i32
            %cond3A_91 = arith.constant 0 : i32
            %cond3A_92 = arith.cmpi ne, %convert_element_type3A_90, %cond3A_91 : i32
            scf.if %cond3A_92 {
              %add3A_93 = arith.constant 2 : i32
              %add3A_94 = arith.addi %scan3A_53, %add3A_93 : i32
              %dma_start3A_95 = arith.constant 0 : i32
              %dma_start3A_96 = tpu.memref_slice %arg7[%add3A_94, %dma_start3A_95] : memref<20x100xi32, #tpu.memory_space<vmem>> -> memref<1x100xi32, #tpu.memory_space<vmem>>
              %dma_start3A_97 = tpu.memref_squeeze %dma_start3A_96 : memref<1x100xi32, #tpu.memory_space<vmem>> -> memref<100xi32, #tpu.memory_space<vmem>>
              %dma_start3A_98 = arith.constant 0 : i32
              %dma_start3A_99 = arith.constant 0 : i32
              %dma_start3A_100 = tpu.memref_slice %arg2[%dma_start3A_98, %dma_start3A_99] : memref<120000x128xf32, #tpu.memory_space<hbm>> -> memref<120000x128xf32, #tpu.memory_space<hbm>>
              tpu.enqueue_indirect_dma source(%dma_start3A_100 : memref<120000x128xf32, #tpu.memory_space<hbm>>) target(%arg9 : memref<100x128xf32, #tpu.memory_space<vmem>>) offsets(%dma_start3A_97 : memref<100xi32, #tpu.memory_space<vmem>>) semaphore(%arg13 : memref<!tpu.dma_semaphore, #tpu.memory_space<semaphore_mem>>)
            } else {
            }
          } else {
          }
          %rem3A_64 = arith.constant 3 : i32
          %rem3A_65 = arith.remsi %scan3A_53, %rem3A_64 : i32
          %eq3A_66 = arith.constant 2 : i32
          %eq3A_67 = arith.cmpi eq, %rem3A_65, %eq3A_66 : i32
          %convert_element_type3A_68 = arith.extui %eq3A_67 : i1 to i32
          %cond3A_69 = arith.constant 0 : i32
          %cond3A_70 = arith.cmpi ne, %convert_element_type3A_68, %cond3A_69 : i32
          scf.if %cond3A_70 {
            %dma_wait3A_71 = arith.constant 0 : i32
            %dma_wait3A_72 = tpu.memref_slice %arg7[%scan3A_53, %dma_wait3A_71] : memref<20x100xi32, #tpu.memory_space<vmem>> -> memref<1x100xi32, #tpu.memory_space<vmem>>
            %dma_wait3A_73 = tpu.memref_squeeze %dma_wait3A_72 : memref<1x100xi32, #tpu.memory_space<vmem>> -> memref<100xi32, #tpu.memory_space<vmem>>
            %dma_wait3A_74 = arith.constant 0 : i32
            %dma_wait3A_75 = arith.constant 0 : i32
            %dma_wait3A_76 = tpu.memref_slice %arg2[%dma_wait3A_74, %dma_wait3A_75] : memref<120000x128xf32, #tpu.memory_space<hbm>> -> memref<120000x128xf32, #tpu.memory_space<hbm>>
            tpu.wait_indirect_dma semaphore(%arg13 : memref<!tpu.dma_semaphore, #tpu.memory_space<semaphore_mem>>) src(%dma_wait3A_76 : memref<120000x128xf32, #tpu.memory_space<hbm>>) dst(%arg11 : memref<100x128xf32, #tpu.memory_space<vmem>>)
            %dma_start3A_77 = arith.constant 0 : i32
            %dma_start3A_78 = tpu.memref_slice %arg8[%scan3A_53, %dma_start3A_77] : memref<20x100xi32, #tpu.memory_space<vmem>> -> memref<1x100xi32, #tpu.memory_space<vmem>>
            %dma_start3A_79 = tpu.memref_squeeze %dma_start3A_78 : memref<1x100xi32, #tpu.memory_space<vmem>> -> memref<100xi32, #tpu.memory_space<vmem>>
            %dma_start3A_80 = arith.constant 0 : i32
            %dma_start3A_81 = arith.constant 0 : i32
            %dma_start3A_82 = tpu.memref_slice %arg12[%dma_start3A_80, %dma_start3A_81] : memref<10000x128xf32, #tpu.memory_space<vmem_shared>> -> memref<10000x128xf32, #tpu.memory_space<vmem_shared>>
            tpu.enqueue_indirect_dma source(%arg11 : memref<100x128xf32, #tpu.memory_space<vmem>>) target(%dma_start3A_82 : memref<10000x128xf32, #tpu.memory_space<vmem_shared>>) offsets(%dma_start3A_79 : memref<100xi32, #tpu.memory_space<vmem>>) semaphore(%arg16 : memref<!tpu.dma_semaphore, #tpu.memory_space<semaphore_mem>>) {add = true}
            %ge3A = arith.constant 1 : i32
            %ge3A_83 = arith.cmpi sge, %scan3A_53, %ge3A : i32
            %convert_element_type3A_84 = arith.extui %ge3A_83 : i1 to i32
            %cond3A_85 = arith.constant 0 : i32
            %cond3A_86 = arith.cmpi ne, %convert_element_type3A_84, %cond3A_85 : i32
            scf.if %cond3A_86 {
              %dma_wait3A_93 = arith.constant 0 : i32
              %dma_wait3A_94 = tpu.memref_slice %arg8[%scan3A_53, %dma_wait3A_93] : memref<20x100xi32, #tpu.memory_space<vmem>> -> memref<1x100xi32, #tpu.memory_space<vmem>>
              %dma_wait3A_95 = tpu.memref_squeeze %dma_wait3A_94 : memref<1x100xi32, #tpu.memory_space<vmem>> -> memref<100xi32, #tpu.memory_space<vmem>>
              %dma_wait3A_96 = arith.constant 0 : i32
              %dma_wait3A_97 = arith.constant 0 : i32
              %dma_wait3A_98 = tpu.memref_slice %arg12[%dma_wait3A_96, %dma_wait3A_97] : memref<10000x128xf32, #tpu.memory_space<vmem_shared>> -> memref<10000x128xf32, #tpu.memory_space<vmem_shared>>
              tpu.wait_indirect_dma semaphore(%arg15 : memref<!tpu.dma_semaphore, #tpu.memory_space<semaphore_mem>>) src(%arg9 : memref<100x128xf32, #tpu.memory_space<vmem>>) dst(%dma_wait3A_98 : memref<10000x128xf32, #tpu.memory_space<vmem_shared>>)
            } else {
            }
            %add3A_87 = arith.constant 2 : i32
            %add3A_88 = arith.addi %scan3A_53, %add3A_87 : i32
            %lt3A = arith.constant 20 : i32
            %lt3A_89 = arith.cmpi slt, %add3A_88, %lt3A : i32
            %convert_element_type3A_90 = arith.extui %lt3A_89 : i1 to i32
            %cond3A_91 = arith.constant 0 : i32
            %cond3A_92 = arith.cmpi ne, %convert_element_type3A_90, %cond3A_91 : i32
            scf.if %cond3A_92 {
              %add3A_93 = arith.constant 2 : i32
              %add3A_94 = arith.addi %scan3A_53, %add3A_93 : i32
              %dma_start3A_95 = arith.constant 0 : i32
              %dma_start3A_96 = tpu.memref_slice %arg7[%add3A_94, %dma_start3A_95] : memref<20x100xi32, #tpu.memory_space<vmem>> -> memref<1x100xi32, #tpu.memory_space<vmem>>
              %dma_start3A_97 = tpu.memref_squeeze %dma_start3A_96 : memref<1x100xi32, #tpu.memory_space<vmem>> -> memref<100xi32, #tpu.memory_space<vmem>>
              %dma_start3A_98 = arith.constant 0 : i32
              %dma_start3A_99 = arith.constant 0 : i32
              %dma_start3A_100 = tpu.memref_slice %arg2[%dma_start3A_98, %dma_start3A_99] : memref<120000x128xf32, #tpu.memory_space<hbm>> -> memref<120000x128xf32, #tpu.memory_space<hbm>>
              tpu.enqueue_indirect_dma source(%dma_start3A_100 : memref<120000x128xf32, #tpu.memory_space<hbm>>) target(%arg10 : memref<100x128xf32, #tpu.memory_space<vmem>>) offsets(%dma_start3A_97 : memref<100xi32, #tpu.memory_space<vmem>>) semaphore(%arg13 : memref<!tpu.dma_semaphore, #tpu.memory_space<semaphore_mem>>)
            } else {
            }
          } else {
          }
        }
        %scan3A_46 = arith.constant 20 : i32
        %dma_wait3A = arith.constant 0 : i32
        %dma_wait3A_47 = arith.constant 0 : i32
        %dma_wait3A_48 = tpu.memref_slice %arg8[%dma_wait3A, %dma_wait3A_47] : memref<20x100xi32, #tpu.memory_space<vmem>> -> memref<1x100xi32, #tpu.memory_space<vmem>>
        %dma_wait3A_49 = tpu.memref_squeeze %dma_wait3A_48 : memref<1x100xi32, #tpu.memory_space<vmem>> -> memref<100xi32, #tpu.memory_space<vmem>>
        %dma_wait3A_50 = arith.constant 0 : i32
        %dma_wait3A_51 = arith.constant 0 : i32
        %dma_wait3A_52 = tpu.memref_slice %arg12[%dma_wait3A_50, %dma_wait3A_51] : memref<10000x128xf32, #tpu.memory_space<vmem_shared>> -> memref<10000x128xf32, #tpu.memory_space<vmem_shared>>
        tpu.wait_indirect_dma semaphore(%arg15 : memref<!tpu.dma_semaphore, #tpu.memory_space<semaphore_mem>>) src(%arg9 : memref<100x128xf32, #tpu.memory_space<vmem>>) dst(%dma_wait3A_52 : memref<10000x128xf32, #tpu.memory_space<vmem_shared>>)
      }
      %scan3A_14 = arith.constant 5 : i32
      %barrier3A_15 = arith.constant 0 : index
      tpu.barrier barrier_id(%barrier3A_15)
      %mul3A_16 = arith.constant 624 : i32
      %mul3A_17 = arith.muli %arg1, %mul3A_16 : i32
      %mul3A_18 = arith.constant 624 : i32
      %mul3A_19 = arith.muli %arg1, %mul3A_18 : i32
      "tpu.region"() ({
        %run_scoped3A = tpu.sem_alloc : memref<!tpu.dma_semaphore, #tpu.memory_space<semaphore_mem>>
        %dma_start3A = arith.constant 0 : i32
        %dma_start3A_21 = tpu.memref_slice %arg6[%arg0, %scan3A_6, %mul3A_19, %dma_start3A] : memref<2x12x10000x128xf32, #tpu.memory_space<hbm>> -> memref<1x1x640x128xf32, #tpu.memory_space<hbm>>
        %dma_start3A_22 = tpu.memref_squeeze %dma_start3A_21 : memref<1x1x640x128xf32, #tpu.memory_space<hbm>> -> memref<640x128xf32, #tpu.memory_space<hbm>>
        %dma_start3A_23 = arith.constant 0 : i32
        %dma_start3A_24 = tpu.memref_slice %arg12[%mul3A_17, %dma_start3A_23] : memref<10000x128xf32, #tpu.memory_space<vmem_shared>> -> memref<640x128xf32, #tpu.memory_space<vmem_shared>>
        tpu.enqueue_dma source(%dma_start3A_24 : memref<640x128xf32, #tpu.memory_space<vmem_shared>>) target(%dma_start3A_22 : memref<640x128xf32, #tpu.memory_space<hbm>>) target_semaphore(%run_scoped3A : memref<!tpu.dma_semaphore, #tpu.memory_space<semaphore_mem>>)
        %dma_wait3A = arith.constant 0 : i32
        %dma_wait3A_25 = tpu.memref_slice %arg6[%arg0, %scan3A_6, %mul3A_19, %dma_wait3A] : memref<2x12x10000x128xf32, #tpu.memory_space<hbm>> -> memref<1x1x640x128xf32, #tpu.memory_space<hbm>>
        %dma_wait3A_26 = tpu.memref_squeeze %dma_wait3A_25 : memref<1x1x640x128xf32, #tpu.memory_space<hbm>> -> memref<640x128xf32, #tpu.memory_space<hbm>>
        %dma_wait3A_27 = arith.constant 0 : i32
        %dma_wait3A_28 = tpu.memref_slice %arg12[%mul3A_17, %dma_wait3A_27] : memref<10000x128xf32, #tpu.memory_space<vmem_shared>> -> memref<640x128xf32, #tpu.memory_space<vmem_shared>>
        tpu.wait_dma2 semaphore(%run_scoped3A : memref<!tpu.dma_semaphore, #tpu.memory_space<semaphore_mem>>) src(%dma_wait3A_28 : memref<640x128xf32, #tpu.memory_space<vmem_shared>>) dst(%dma_wait3A_26 : memref<640x128xf32, #tpu.memory_space<hbm>>)
        tpu.yield
      }) : () -> ()
      %barrier3A_20 = arith.constant 0 : index
      tpu.barrier barrier_id(%barrier3A_20)
    }
    %scan3A_5 = arith.constant 12 : i32
    return
  }
}

#map = affine_map<(d0, d1) -> (0, 0, 0)>
#map1 = affine_map<(d0, d1) -> (0, 0)>
module attributes {stable_mosaic.version = 14 : i64} {
  func.func @_sc_deg_body(%arg0: i32, %arg1: i32, %arg2: memref<3200x1x100xi32, #tpu.memory_space<hbm>>, %arg3: memref<100x128xf32, #tpu.memory_space<hbm>>, %arg4: memref<640x128xf32, #tpu.memory_space<hbm>>, %arg5: memref<2x10240x128xf32, #tpu.memory_space<hbm>>, %arg6: memref<100x128xf32, #tpu.memory_space<vmem>>, %arg7: memref<100xi32, #tpu.memory_space<vmem>>, %arg8: memref<10240x128xf32, #tpu.memory_space<vmem_shared>>) attributes {dimension_semantics = [#tpu.dimension_semantics<core_parallel>, #tpu.dimension_semantics<subcore_parallel>], iteration_bounds = array<i64: 2, 16>, scalar_prefetch = 0 : i64, scratch_operands = 3 : i64, tpu.core_type = #tpu.core_type<sc_vector_subcore>, window_params = [{transform_indices = #map}, {transform_indices = #map1}, {transform_indices = #map1}, {transform_indices = #map}]} {
    %mul3A = arith.constant 16 : i32
    %mul3A_0 = arith.muli %arg0, %mul3A : i32
    %add3A = arith.addi %mul3A_0, %arg1 : i32
    %mul3A_1 = arith.constant 640 : i32
    %mul3A_2 = arith.muli %arg1, %mul3A_1 : i32
    "tpu.region"() ({
      %run_scoped3A = tpu.sem_alloc : memref<!tpu.dma_semaphore, #tpu.memory_space<semaphore_mem>>
      %dma_start3A = arith.constant 0 : i32
      %dma_start3A_13 = tpu.memref_slice %arg8[%mul3A_2, %dma_start3A] : memref<10240x128xf32, #tpu.memory_space<vmem_shared>> -> memref<640x128xf32, #tpu.memory_space<vmem_shared>>
      tpu.enqueue_dma source(%arg4 : memref<640x128xf32, #tpu.memory_space<hbm>>) target(%dma_start3A_13 : memref<640x128xf32, #tpu.memory_space<vmem_shared>>) target_semaphore(%run_scoped3A : memref<!tpu.dma_semaphore, #tpu.memory_space<semaphore_mem>>)
      %dma_wait3A = arith.constant 0 : i32
      %dma_wait3A_14 = tpu.memref_slice %arg8[%mul3A_2, %dma_wait3A] : memref<10240x128xf32, #tpu.memory_space<vmem_shared>> -> memref<640x128xf32, #tpu.memory_space<vmem_shared>>
      tpu.wait_dma2 semaphore(%run_scoped3A : memref<!tpu.dma_semaphore, #tpu.memory_space<semaphore_mem>>) src(%arg4 : memref<640x128xf32, #tpu.memory_space<hbm>>) dst(%dma_wait3A_14 : memref<640x128xf32, #tpu.memory_space<vmem_shared>>)
      tpu.yield
    }) : () -> ()
    "tpu.region"() ({
      %run_scoped3A = tpu.sem_alloc : memref<!tpu.dma_semaphore, #tpu.memory_space<semaphore_mem>>
      tpu.enqueue_dma source(%arg3 : memref<100x128xf32, #tpu.memory_space<hbm>>) target(%arg6 : memref<100x128xf32, #tpu.memory_space<vmem>>) target_semaphore(%run_scoped3A : memref<!tpu.dma_semaphore, #tpu.memory_space<semaphore_mem>>)
      tpu.wait_dma2 semaphore(%run_scoped3A : memref<!tpu.dma_semaphore, #tpu.memory_space<semaphore_mem>>) src(%arg3 : memref<100x128xf32, #tpu.memory_space<hbm>>) dst(%arg6 : memref<100x128xf32, #tpu.memory_space<vmem>>)
      tpu.yield
    }) : () -> ()
    %barrier3A = arith.constant 0 : index
    tpu.barrier barrier_id(%barrier3A)
    %scan3A = arith.constant 0 : i32
    %scan3A_3 = arith.constant 0 : i32
    %scan3A_4 = arith.constant 100 : i32
    %scan3A_5 = arith.addi %scan3A_3, %scan3A_4 : i32
    %scan3A_6 = arith.constant 1 : i32
    scf.for %scan3A_13 = %scan3A_3 to %scan3A_5 step %scan3A_6  : i32 {
      %mul3A_14 = arith.constant 100 : i32
      %mul3A_15 = arith.muli %add3A, %mul3A_14 : i32
      %add3A_16 = arith.addi %mul3A_15, %scan3A_13 : i32
      %run_scoped3A = arith.constant 0 : i32
      "tpu.region"() ({
        %run_scoped3A_17 = tpu.sem_alloc : memref<!tpu.dma_semaphore, #tpu.memory_space<semaphore_mem>>
        %dma_start3A = arith.constant 0 : i32
        %dma_start3A_18 = tpu.memref_slice %arg2[%add3A_16, %run_scoped3A, %dma_start3A] : memref<3200x1x100xi32, #tpu.memory_space<hbm>> -> memref<1x1x100xi32, #tpu.memory_space<hbm>>
        %dma_start3A_19 = tpu.memref_squeeze %dma_start3A_18 : memref<1x1x100xi32, #tpu.memory_space<hbm>> -> memref<100xi32, #tpu.memory_space<hbm>>
        %dma_start3A_20 = arith.constant 0 : i32
        %dma_start3A_21 = tpu.memref_slice %arg2[%add3A_16, %run_scoped3A, %dma_start3A_20] : memref<3200x1x100xi32, #tpu.memory_space<hbm>> -> memref<1x1x100xi32, #tpu.memory_space<hbm>>
        %dma_start3A_22 = tpu.memref_squeeze %dma_start3A_21 : memref<1x1x100xi32, #tpu.memory_space<hbm>> -> memref<100xi32, #tpu.memory_space<hbm>>
        tpu.enqueue_dma source(%dma_start3A_22 : memref<100xi32, #tpu.memory_space<hbm>>) target(%arg7 : memref<100xi32, #tpu.memory_space<vmem>>) target_semaphore(%run_scoped3A_17 : memref<!tpu.dma_semaphore, #tpu.memory_space<semaphore_mem>>)
        %dma_wait3A = arith.constant 0 : i32
        %dma_wait3A_23 = tpu.memref_slice %arg2[%add3A_16, %run_scoped3A, %dma_wait3A] : memref<3200x1x100xi32, #tpu.memory_space<hbm>> -> memref<1x1x100xi32, #tpu.memory_space<hbm>>
        %dma_wait3A_24 = tpu.memref_squeeze %dma_wait3A_23 : memref<1x1x100xi32, #tpu.memory_space<hbm>> -> memref<100xi32, #tpu.memory_space<hbm>>
        %dma_wait3A_25 = arith.constant 0 : i32
        %dma_wait3A_26 = tpu.memref_slice %arg2[%add3A_16, %run_scoped3A, %dma_wait3A_25] : memref<3200x1x100xi32, #tpu.memory_space<hbm>> -> memref<1x1x100xi32, #tpu.memory_space<hbm>>
        %dma_wait3A_27 = tpu.memref_squeeze %dma_wait3A_26 : memref<1x1x100xi32, #tpu.memory_space<hbm>> -> memref<100xi32, #tpu.memory_space<hbm>>
        tpu.wait_dma2 semaphore(%run_scoped3A_17 : memref<!tpu.dma_semaphore, #tpu.memory_space<semaphore_mem>>) src(%dma_wait3A_27 : memref<100xi32, #tpu.memory_space<hbm>>) dst(%arg7 : memref<100xi32, #tpu.memory_space<vmem>>)
        tpu.yield
      }) : () -> ()
      "tpu.region"() ({
        %run_scoped3A_17 = tpu.sem_alloc : memref<!tpu.dma_semaphore, #tpu.memory_space<semaphore_mem>>
        %dma_start3A = arith.constant 0 : i32
        %dma_start3A_18 = arith.constant 0 : i32
        %dma_start3A_19 = tpu.memref_slice %arg8[%dma_start3A, %dma_start3A_18] : memref<10240x128xf32, #tpu.memory_space<vmem_shared>> -> memref<10240x128xf32, #tpu.memory_space<vmem_shared>>
        tpu.enqueue_indirect_dma source(%arg6 : memref<100x128xf32, #tpu.memory_space<vmem>>) target(%dma_start3A_19 : memref<10240x128xf32, #tpu.memory_space<vmem_shared>>) offsets(%arg7 : memref<100xi32, #tpu.memory_space<vmem>>) semaphore(%run_scoped3A_17 : memref<!tpu.dma_semaphore, #tpu.memory_space<semaphore_mem>>) {add = true}
        %dma_wait3A = arith.constant 0 : i32
        %dma_wait3A_20 = arith.constant 0 : i32
        %dma_wait3A_21 = tpu.memref_slice %arg8[%dma_wait3A, %dma_wait3A_20] : memref<10240x128xf32, #tpu.memory_space<vmem_shared>> -> memref<10240x128xf32, #tpu.memory_space<vmem_shared>>
        tpu.wait_indirect_dma semaphore(%run_scoped3A_17 : memref<!tpu.dma_semaphore, #tpu.memory_space<semaphore_mem>>) src(%arg6 : memref<100x128xf32, #tpu.memory_space<vmem>>) dst(%dma_wait3A_21 : memref<10240x128xf32, #tpu.memory_space<vmem_shared>>)
        tpu.yield
      }) : () -> ()
    }
    %scan3A_7 = arith.constant 100 : i32
    %barrier3A_8 = arith.constant 0 : index
    tpu.barrier barrier_id(%barrier3A_8)
    %mul3A_9 = arith.constant 640 : i32
    %mul3A_10 = arith.muli %arg1, %mul3A_9 : i32
    %mul3A_11 = arith.constant 640 : i32
    %mul3A_12 = arith.muli %arg1, %mul3A_11 : i32
    "tpu.region"() ({
      %run_scoped3A = tpu.sem_alloc : memref<!tpu.dma_semaphore, #tpu.memory_space<semaphore_mem>>
      %dma_start3A = arith.constant 0 : i32
      %dma_start3A_13 = tpu.memref_slice %arg5[%arg0, %mul3A_12, %dma_start3A] : memref<2x10240x128xf32, #tpu.memory_space<hbm>> -> memref<1x640x128xf32, #tpu.memory_space<hbm>>
      %dma_start3A_14 = tpu.memref_squeeze %dma_start3A_13 : memref<1x640x128xf32, #tpu.memory_space<hbm>> -> memref<640x128xf32, #tpu.memory_space<hbm>>
      %dma_start3A_15 = arith.constant 0 : i32
      %dma_start3A_16 = tpu.memref_slice %arg8[%mul3A_10, %dma_start3A_15] : memref<10240x128xf32, #tpu.memory_space<vmem_shared>> -> memref<640x128xf32, #tpu.memory_space<vmem_shared>>
      tpu.enqueue_dma source(%dma_start3A_16 : memref<640x128xf32, #tpu.memory_space<vmem_shared>>) target(%dma_start3A_14 : memref<640x128xf32, #tpu.memory_space<hbm>>) target_semaphore(%run_scoped3A : memref<!tpu.dma_semaphore, #tpu.memory_space<semaphore_mem>>)
      %dma_wait3A = arith.constant 0 : i32
      %dma_wait3A_17 = tpu.memref_slice %arg5[%arg0, %mul3A_12, %dma_wait3A] : memref<2x10240x128xf32, #tpu.memory_space<hbm>> -> memref<1x640x128xf32, #tpu.memory_space<hbm>>
      %dma_wait3A_18 = tpu.memref_squeeze %dma_wait3A_17 : memref<1x640x128xf32, #tpu.memory_space<hbm>> -> memref<640x128xf32, #tpu.memory_space<hbm>>
      %dma_wait3A_19 = arith.constant 0 : i32
      %dma_wait3A_20 = tpu.memref_slice %arg8[%mul3A_10, %dma_wait3A_19] : memref<10240x128xf32, #tpu.memory_space<vmem_shared>> -> memref<640x128xf32, #tpu.memory_space<vmem_shared>>
      tpu.wait_dma2 semaphore(%run_scoped3A : memref<!tpu.dma_semaphore, #tpu.memory_space<semaphore_mem>>) src(%dma_wait3A_20 : memref<640x128xf32, #tpu.memory_space<vmem_shared>>) dst(%dma_wait3A_18 : memref<640x128xf32, #tpu.memory_space<hbm>>)
      tpu.yield
    }) : () -> ()
    return
  }
}

module attributes {stable_mosaic.version = 14 : i64} {
  func.func @_t1_body(%arg0: i32, %arg1: memref<1000x128xf32, #tpu.memory_space<vmem>>, %arg2: memref<128x128xf32, #tpu.memory_space<vmem>>, %arg3: memref<1x128xf32, #tpu.memory_space<vmem>>, %arg4: memref<1000x128xf32, #tpu.memory_space<vmem>>, %arg5: memref<2x128xf32, #tpu.memory_space<vmem>>) attributes {dimension_semantics = [#tpu.dimension_semantics<arbitrary>], iteration_bounds = array<i64: 120>, scalar_prefetch = 0 : i64, scratch_operands = 0 : i64, tpu.core_type = #tpu.core_type<tc>, window_params = [{transform_indices = @transform_0, window_bounds = array<i64: 1000, 128>}, {pipeline_mode = #tpu.pipeline_mode<synchronous>, transform_indices = @transform_1, window_bounds = array<i64: 128, 128>}, {pipeline_mode = #tpu.pipeline_mode<synchronous>, transform_indices = @transform_2, window_bounds = array<i64: 1, 128>}, {transform_indices = @transform_3, window_bounds = array<i64: 1000, 128>}, {pipeline_mode = #tpu.pipeline_mode<synchronous>, transform_indices = @transform_4, window_bounds = array<i64: 2, 128>}]} {
    %get3A = arith.constant 0 : index
    %get3A_0 = arith.constant 0 : index
    %get3A_1 = vector.load %arg1[%get3A, %get3A_0] : memref<1000x128xf32, #tpu.memory_space<vmem>>, vector<1000x128xf32>
    %get3A_2 = arith.constant 0 : index
    %get3A_3 = arith.constant 0 : index
    %get3A_4 = vector.load %arg2[%get3A_2, %get3A_3] : memref<128x128xf32, #tpu.memory_space<vmem>>, vector<128x128xf32>
    %dot_general3A = arith.constant dense<0.000000e+00> : vector<1000x128xf32>
    %dot_general3A_5 = tpu.matmul %get3A_1, %get3A_4, %dot_general3A {dimension_numbers = #tpu.dot_dimension_numbers<[1], [0], [0], [1], [0, 0, 1, 1], [], []>, transpose_lhs_hint = false} : vector<1000x128xf32>, vector<128x128xf32>, vector<1000x128xf32> -> vector<1000x128xf32>
    %get3A_6 = arith.constant 0 : index
    %get3A_7 = arith.constant 0 : index
    %get3A_8 = vector.load %arg3[%get3A_6, %get3A_7] : memref<1x128xf32, #tpu.memory_space<vmem>>, vector<1x128xf32>
    %add3A = vector.broadcast %get3A_8 : vector<1x128xf32> to vector<1000x128xf32>
    %add3A_9 = arith.addf %dot_general3A_5, %add3A : vector<1000x128xf32>
    %swap3A = arith.constant 0 : index
    %swap3A_10 = arith.constant 0 : index
    %swap3A_11 = vector.load %arg4[%swap3A, %swap3A_10] : memref<1000x128xf32, #tpu.memory_space<vmem>>, vector<1000x128xf32>
    tpu.vector_store %arg4[%swap3A, %swap3A_10], %add3A_9 {strides = array<i32>} : memref<1000x128xf32, #tpu.memory_space<vmem>>, vector<1000x128xf32>,
    %reduce_sum3A = arith.constant dense<0.000000e+00> : vector<128xf32>
    %reduce_sum3A_12 = vector.multi_reduction <add>, %add3A_9, %reduce_sum3A [0] : vector<1000x128xf32> to vector<128xf32>
    %broadcast_in_dim3A = vector.shape_cast %reduce_sum3A_12 : vector<128xf32> to vector<1x128xf32>
    %mul3A = arith.mulf %add3A_9, %add3A_9 : vector<1000x128xf32>
    %reduce_sum3A_13 = arith.constant dense<0.000000e+00> : vector<128xf32>
    %reduce_sum3A_14 = vector.multi_reduction <add>, %mul3A, %reduce_sum3A_13 [0] : vector<1000x128xf32> to vector<128xf32>
    %broadcast_in_dim3A_15 = vector.shape_cast %reduce_sum3A_14 : vector<128xf32> to vector<1x128xf32>
    %concatenate3A = tpu.concatenate %broadcast_in_dim3A, %broadcast_in_dim3A_15 in 0 : vector<1x128xf32>, vector<1x128xf32> -> vector<2x128xf32>
    %eq3A = arith.constant 0 : i32
    %eq3A_16 = arith.cmpi eq, %arg0, %eq3A : i32
    %convert_element_type3A = arith.extui %eq3A_16 : i1 to i32
    %cond3A = arith.constant 0 : i32
    %cond3A_17 = arith.cmpi ne, %convert_element_type3A, %cond3A : i32
    scf.if %cond3A_17 {
      %swap3A_22 = arith.constant 0 : index
      %swap3A_23 = arith.constant 0 : index
      %swap3A_24 = vector.load %arg5[%swap3A_22, %swap3A_23] : memref<2x128xf32, #tpu.memory_space<vmem>>, vector<2x128xf32>
      tpu.vector_store %arg5[%swap3A_22, %swap3A_23], %concatenate3A {strides = array<i32>} : memref<2x128xf32, #tpu.memory_space<vmem>>, vector<2x128xf32>,
    } else {
    }
    %gt3A = arith.constant 0 : i32
    %gt3A_18 = arith.cmpi sgt, %arg0, %gt3A : i32
    %convert_element_type3A_19 = arith.extui %gt3A_18 : i1 to i32
    %cond3A_20 = arith.constant 0 : i32
    %cond3A_21 = arith.cmpi ne, %convert_element_type3A_19, %cond3A_20 : i32
    scf.if %cond3A_21 {
      %get3A_22 = arith.constant 0 : index
      %get3A_23 = arith.constant 0 : index
      %get3A_24 = vector.load %arg5[%get3A_22, %get3A_23] : memref<2x128xf32, #tpu.memory_space<vmem>>, vector<2x128xf32>
      %add3A_25 = arith.addf %get3A_24, %concatenate3A : vector<2x128xf32>
      %swap3A_26 = arith.constant 0 : index
      %swap3A_27 = arith.constant 0 : index
      %swap3A_28 = vector.load %arg5[%swap3A_26, %swap3A_27] : memref<2x128xf32, #tpu.memory_space<vmem>>, vector<2x128xf32>
      tpu.vector_store %arg5[%swap3A_26, %swap3A_27], %add3A_25 {strides = array<i32>} : memref<2x128xf32, #tpu.memory_space<vmem>>, vector<2x128xf32>,
    } else {
    }
    return
  }
  func.func @transform_0(%arg0: i32) -> (i32, i32) {
    %c0_i32 = arith.constant 0 : i32
    %c0_i32_0 = arith.constant 0 : i32
    return %arg0, %c0_i32 : i32, i32
  }
  func.func @transform_1(%arg0: i32) -> (i32, i32) {
    %c0_i32 = arith.constant 0 : i32
    %c0_i32_0 = arith.constant 0 : i32
    %c0_i32_1 = arith.constant 0 : i32
    return %c0_i32, %c0_i32_0 : i32, i32
  }
  func.func @transform_2(%arg0: i32) -> (i32, i32) {
    %c0_i32 = arith.constant 0 : i32
    %c0_i32_0 = arith.constant 0 : i32
    %c0_i32_1 = arith.constant 0 : i32
    return %c0_i32, %c0_i32_0 : i32, i32
  }
  func.func @transform_3(%arg0: i32) -> (i32, i32) {
    %c0_i32 = arith.constant 0 : i32
    %c0_i32_0 = arith.constant 0 : i32
    return %arg0, %c0_i32 : i32, i32
  }
  func.func @transform_4(%arg0: i32) -> (i32, i32) {
    %c0_i32 = arith.constant 0 : i32
    %c0_i32_0 = arith.constant 0 : i32
    %c0_i32_1 = arith.constant 0 : i32
    return %c0_i32, %c0_i32_0 : i32, i32
  }
}

module attributes {stable_mosaic.version = 14 : i64} {
  func.func @_t2_body(%arg0: i32, %arg1: i32, %arg2: memref<1x400x128xf32, #tpu.memory_space<vmem>>, %arg3: memref<1x128xf32, #tpu.memory_space<vmem>>, %arg4: memref<1x128xf32, #tpu.memory_space<vmem>>, %arg5: memref<128x128xf32, #tpu.memory_space<vmem>>, %arg6: memref<400x16xf32, #tpu.memory_space<vmem>>, %arg7: memref<1x400x128xf32, #tpu.memory_space<vmem>>) attributes {dimension_semantics = [#tpu.dimension_semantics<arbitrary>, #tpu.dimension_semantics<arbitrary>], iteration_bounds = array<i64: 12, 25>, scalar_prefetch = 0 : i64, scratch_operands = 0 : i64, tpu.core_type = #tpu.core_type<tc>, window_params = [{transform_indices = @transform_0, window_bounds = array<i64: 1, 400, 128>}, {pipeline_mode = #tpu.pipeline_mode<synchronous>, transform_indices = @transform_1, window_bounds = array<i64: 1, 128>}, {pipeline_mode = #tpu.pipeline_mode<synchronous>, transform_indices = @transform_2, window_bounds = array<i64: 1, 128>}, {pipeline_mode = #tpu.pipeline_mode<synchronous>, transform_indices = @transform_3, window_bounds = array<i64: 128, 128>}, {transform_indices = @transform_4, window_bounds = array<i64: 400, 16>}, {transform_indices = @transform_5, window_bounds = array<i64: 1, 400, 128>}]} {
    %get3A = arith.constant 0 : index
    %get3A_0 = arith.constant 0 : index
    %get3A_1 = arith.constant 0 : index
    %get3A_2 = vector.load %arg2[%get3A, %get3A_0, %get3A_1] : memref<1x400x128xf32, #tpu.memory_space<vmem>>, vector<1x400x128xf32>
    %get3A_3 = vector.shape_cast %get3A_2 : vector<1x400x128xf32> to vector<400x128xf32>
    %get3A_4 = arith.constant 0 : index
    %get3A_5 = arith.constant 0 : index
    %get3A_6 = vector.load %arg3[%get3A_4, %get3A_5] : memref<1x128xf32, #tpu.memory_space<vmem>>, vector<1x128xf32>
    %mul3A = vector.broadcast %get3A_6 : vector<1x128xf32> to vector<400x128xf32>
    %mul3A_7 = arith.mulf %get3A_3, %mul3A : vector<400x128xf32>
    %get3A_8 = arith.constant 0 : index
    %get3A_9 = arith.constant 0 : index
    %get3A_10 = vector.load %arg4[%get3A_8, %get3A_9] : memref<1x128xf32, #tpu.memory_space<vmem>>, vector<1x128xf32>
    %add3A = vector.broadcast %get3A_10 : vector<1x128xf32> to vector<400x128xf32>
    %add3A_11 = arith.addf %mul3A_7, %add3A : vector<400x128xf32>
    %max3A = arith.constant 0.000000e+00 : f32
    %max3A_12 = vector.broadcast %max3A : f32 to vector<400x128xf32>
    %max3A_13 = arith.maximumf %add3A_11, %max3A_12 : vector<400x128xf32>
    %get3A_14 = arith.constant 0 : index
    %get3A_15 = arith.constant 0 : index
    %get3A_16 = vector.load %arg5[%get3A_14, %get3A_15] : memref<128x128xf32, #tpu.memory_space<vmem>>, vector<128x128xf32>
    %dot_general3A = arith.constant dense<0.000000e+00> : vector<400x128xf32>
    %dot_general3A_17 = tpu.matmul %max3A_13, %get3A_16, %dot_general3A {dimension_numbers = #tpu.dot_dimension_numbers<[1], [0], [0], [1], [0, 0, 1, 1], [], []>, transpose_lhs_hint = false} : vector<400x128xf32>, vector<128x128xf32>, vector<400x128xf32> -> vector<400x128xf32>
    %get3A_18 = arith.constant 0 : index
    %get3A_19 = arith.constant 0 : index
    %get3A_20 = vector.load %arg6[%get3A_18, %get3A_19] : memref<400x16xf32, #tpu.memory_space<vmem>>, vector<400x1xf32>
    %rsqrt3A = math.rsqrt %get3A_20 : vector<400x1xf32>
    %mul3A_21 = vector.broadcast %rsqrt3A : vector<400x1xf32> to vector<400x128xf32>
    %mul3A_22 = arith.mulf %dot_general3A_17, %mul3A_21 : vector<400x128xf32>
    %swap3A = arith.constant 0 : index
    %swap3A_23 = arith.constant 0 : index
    %swap3A_24 = arith.constant 0 : index
    %swap3A_25 = vector.load %arg7[%swap3A, %swap3A_23, %swap3A_24] : memref<1x400x128xf32, #tpu.memory_space<vmem>>, vector<1x400x128xf32>
    %swap3A_26 = vector.shape_cast %swap3A_25 : vector<1x400x128xf32> to vector<400x128xf32>
    %swap3A_27 = vector.shape_cast %mul3A_22 : vector<400x128xf32> to vector<1x400x128xf32>
    tpu.vector_store %arg7[%swap3A, %swap3A_23, %swap3A_24], %swap3A_27 {strides = array<i32>} : memref<1x400x128xf32, #tpu.memory_space<vmem>>, vector<1x400x128xf32>,
    return
  }
  func.func @transform_0(%arg0: i32, %arg1: i32) -> (i32, i32, i32) {
    %c0_i32 = arith.constant 0 : i32
    %c0_i32_0 = arith.constant 0 : i32
    return %arg0, %arg1, %c0_i32 : i32, i32, i32
  }
  func.func @transform_1(%arg0: i32, %arg1: i32) -> (i32, i32) {
    %c0_i32 = arith.constant 0 : i32
    %c0_i32_0 = arith.constant 0 : i32
    %c0_i32_1 = arith.constant 0 : i32
    return %c0_i32, %c0_i32_0 : i32, i32
  }
  func.func @transform_2(%arg0: i32, %arg1: i32) -> (i32, i32) {
    %c0_i32 = arith.constant 0 : i32
    %c0_i32_0 = arith.constant 0 : i32
    %c0_i32_1 = arith.constant 0 : i32
    return %c0_i32, %c0_i32_0 : i32, i32
  }
  func.func @transform_3(%arg0: i32, %arg1: i32) -> (i32, i32) {
    %c0_i32 = arith.constant 0 : i32
    %c0_i32_0 = arith.constant 0 : i32
    %c0_i32_1 = arith.constant 0 : i32
    return %c0_i32, %c0_i32_0 : i32, i32
  }
  func.func @transform_4(%arg0: i32, %arg1: i32) -> (i32, i32) {
    %c0_i32 = arith.constant 0 : i32
    %c0_i32_0 = arith.constant 0 : i32
    return %arg1, %c0_i32 : i32, i32
  }
  func.func @transform_5(%arg0: i32, %arg1: i32) -> (i32, i32, i32) {
    %c0_i32 = arith.constant 0 : i32
    %c0_i32_0 = arith.constant 0 : i32
    return %arg0, %arg1, %c0_i32 : i32, i32, i32
  }
}

module attributes {stable_mosaic.version = 14 : i64} {
  func.func @_t3_body(%arg0: i32, %arg1: i32, %arg2: memref<2x1x400x128xf32, #tpu.memory_space<vmem>>, %arg3: memref<1x400x128xf32, #tpu.memory_space<vmem>>, %arg4: memref<400x16xf32, #tpu.memory_space<vmem>>, %arg5: memref<1x128xf32, #tpu.memory_space<vmem>>, %arg6: memref<1x400x128xf32, #tpu.memory_space<vmem>>, %arg7: memref<1x2x128xf32, #tpu.memory_space<vmem>>) attributes {dimension_semantics = [#tpu.dimension_semantics<arbitrary>, #tpu.dimension_semantics<arbitrary>], iteration_bounds = array<i64: 12, 25>, scalar_prefetch = 0 : i64, scratch_operands = 0 : i64, tpu.core_type = #tpu.core_type<tc>, window_params = [{transform_indices = @transform_0, window_bounds = array<i64: 2, 1, 400, 128>}, {transform_indices = @transform_1, window_bounds = array<i64: 1, 400, 128>}, {transform_indices = @transform_2, window_bounds = array<i64: 400, 16>}, {pipeline_mode = #tpu.pipeline_mode<synchronous>, transform_indices = @transform_3, window_bounds = array<i64: 1, 128>}, {transform_indices = @transform_4, window_bounds = array<i64: 1, 400, 128>}, {transform_indices = @transform_5, window_bounds = array<i64: 1, 2, 128>}]} {
    %get3A = arith.constant 0 : index
    %get3A_0 = arith.constant 0 : index
    %get3A_1 = arith.constant 0 : index
    %get3A_2 = arith.constant 0 : index
    %get3A_3 = vector.load %arg2[%get3A, %get3A_0, %get3A_1, %get3A_2] : memref<2x1x400x128xf32, #tpu.memory_space<vmem>>, vector<1x1x400x128xf32>
    %get3A_4 = vector.shape_cast %get3A_3 : vector<1x1x400x128xf32> to vector<400x128xf32>
    %get3A_5 = arith.constant 1 : index
    %get3A_6 = arith.constant 0 : index
    %get3A_7 = arith.constant 0 : index
    %get3A_8 = arith.constant 0 : index
    %get3A_9 = vector.load %arg2[%get3A_5, %get3A_6, %get3A_7, %get3A_8] : memref<2x1x400x128xf32, #tpu.memory_space<vmem>>, vector<1x1x400x128xf32>
    %get3A_10 = vector.shape_cast %get3A_9 : vector<1x1x400x128xf32> to vector<400x128xf32>
    %add3A = arith.addf %get3A_4, %get3A_10 : vector<400x128xf32>
    %get3A_11 = arith.constant 0 : index
    %get3A_12 = arith.constant 0 : index
    %get3A_13 = arith.constant 0 : index
    %get3A_14 = vector.load %arg3[%get3A_11, %get3A_12, %get3A_13] : memref<1x400x128xf32, #tpu.memory_space<vmem>>, vector<1x400x128xf32>
    %get3A_15 = vector.shape_cast %get3A_14 : vector<1x400x128xf32> to vector<400x128xf32>
    %add3A_16 = arith.addf %add3A, %get3A_15 : vector<400x128xf32>
    %get3A_17 = arith.constant 0 : index
    %get3A_18 = arith.constant 0 : index
    %get3A_19 = vector.load %arg4[%get3A_17, %get3A_18] : memref<400x16xf32, #tpu.memory_space<vmem>>, vector<400x1xf32>
    %rsqrt3A = math.rsqrt %get3A_19 : vector<400x1xf32>
    %mul3A = vector.broadcast %rsqrt3A : vector<400x1xf32> to vector<400x128xf32>
    %mul3A_20 = arith.mulf %add3A_16, %mul3A : vector<400x128xf32>
    %get3A_21 = arith.constant 0 : index
    %get3A_22 = arith.constant 0 : index
    %get3A_23 = vector.load %arg5[%get3A_21, %get3A_22] : memref<1x128xf32, #tpu.memory_space<vmem>>, vector<1x128xf32>
    %add3A_24 = vector.broadcast %get3A_23 : vector<1x128xf32> to vector<400x128xf32>
    %add3A_25 = arith.addf %mul3A_20, %add3A_24 : vector<400x128xf32>
    %swap3A = arith.constant 0 : index
    %swap3A_26 = arith.constant 0 : index
    %swap3A_27 = arith.constant 0 : index
    %swap3A_28 = vector.load %arg6[%swap3A, %swap3A_26, %swap3A_27] : memref<1x400x128xf32, #tpu.memory_space<vmem>>, vector<1x400x128xf32>
    %swap3A_29 = vector.shape_cast %swap3A_28 : vector<1x400x128xf32> to vector<400x128xf32>
    %swap3A_30 = vector.shape_cast %add3A_25 : vector<400x128xf32> to vector<1x400x128xf32>
    tpu.vector_store %arg6[%swap3A, %swap3A_26, %swap3A_27], %swap3A_30 {strides = array<i32>} : memref<1x400x128xf32, #tpu.memory_space<vmem>>, vector<1x400x128xf32>,
    %reduce_sum3A = arith.constant dense<0.000000e+00> : vector<128xf32>
    %reduce_sum3A_31 = vector.multi_reduction <add>, %add3A_25, %reduce_sum3A [0] : vector<400x128xf32> to vector<128xf32>
    %broadcast_in_dim3A = vector.shape_cast %reduce_sum3A_31 : vector<128xf32> to vector<1x128xf32>
    %mul3A_32 = arith.mulf %add3A_25, %add3A_25 : vector<400x128xf32>
    %reduce_sum3A_33 = arith.constant dense<0.000000e+00> : vector<128xf32>
    %reduce_sum3A_34 = vector.multi_reduction <add>, %mul3A_32, %reduce_sum3A_33 [0] : vector<400x128xf32> to vector<128xf32>
    %broadcast_in_dim3A_35 = vector.shape_cast %reduce_sum3A_34 : vector<128xf32> to vector<1x128xf32>
    %concatenate3A = tpu.concatenate %broadcast_in_dim3A, %broadcast_in_dim3A_35 in 0 : vector<1x128xf32>, vector<1x128xf32> -> vector<2x128xf32>
    %broadcast_in_dim3A_36 = vector.shape_cast %concatenate3A : vector<2x128xf32> to vector<1x2x128xf32>
    %eq3A = arith.constant 0 : i32
    %eq3A_37 = arith.cmpi eq, %arg1, %eq3A : i32
    %convert_element_type3A = arith.extui %eq3A_37 : i1 to i32
    %cond3A = arith.constant 0 : i32
    %cond3A_38 = arith.cmpi ne, %convert_element_type3A, %cond3A : i32
    scf.if %cond3A_38 {
      %swap3A_43 = arith.constant 0 : index
      %swap3A_44 = arith.constant 0 : index
      %swap3A_45 = arith.constant 0 : index
      %swap3A_46 = vector.load %arg7[%swap3A_43, %swap3A_44, %swap3A_45] : memref<1x2x128xf32, #tpu.memory_space<vmem>>, vector<1x2x128xf32>
      tpu.vector_store %arg7[%swap3A_43, %swap3A_44, %swap3A_45], %broadcast_in_dim3A_36 {strides = array<i32>} : memref<1x2x128xf32, #tpu.memory_space<vmem>>, vector<1x2x128xf32>,
    } else {
    }
    %gt3A = arith.constant 0 : i32
    %gt3A_39 = arith.cmpi sgt, %arg1, %gt3A : i32
    %convert_element_type3A_40 = arith.extui %gt3A_39 : i1 to i32
    %cond3A_41 = arith.constant 0 : i32
    %cond3A_42 = arith.cmpi ne, %convert_element_type3A_40, %cond3A_41 : i32
    scf.if %cond3A_42 {
      %get3A_43 = arith.constant 0 : index
      %get3A_44 = arith.constant 0 : index
      %get3A_45 = arith.constant 0 : index
      %get3A_46 = vector.load %arg7[%get3A_43, %get3A_44, %get3A_45] : memref<1x2x128xf32, #tpu.memory_space<vmem>>, vector<1x2x128xf32>
      %add3A_47 = arith.addf %get3A_46, %broadcast_in_dim3A_36 : vector<1x2x128xf32>
      %swap3A_48 = arith.constant 0 : index
      %swap3A_49 = arith.constant 0 : index
      %swap3A_50 = arith.constant 0 : index
      %swap3A_51 = vector.load %arg7[%swap3A_48, %swap3A_49, %swap3A_50] : memref<1x2x128xf32, #tpu.memory_space<vmem>>, vector<1x2x128xf32>
      tpu.vector_store %arg7[%swap3A_48, %swap3A_49, %swap3A_50], %add3A_47 {strides = array<i32>} : memref<1x2x128xf32, #tpu.memory_space<vmem>>, vector<1x2x128xf32>,
    } else {
    }
    return
  }
  func.func @transform_0(%arg0: i32, %arg1: i32) -> (i32, i32, i32, i32) {
    %c0_i32 = arith.constant 0 : i32
    %c0_i32_0 = arith.constant 0 : i32
    %c0_i32_1 = arith.constant 0 : i32
    return %c0_i32, %arg0, %arg1, %c0_i32_0 : i32, i32, i32, i32
  }
  func.func @transform_1(%arg0: i32, %arg1: i32) -> (i32, i32, i32) {
    %c0_i32 = arith.constant 0 : i32
    %c0_i32_0 = arith.constant 0 : i32
    return %arg0, %arg1, %c0_i32 : i32, i32, i32
  }
  func.func @transform_2(%arg0: i32, %arg1: i32) -> (i32, i32) {
    %c0_i32 = arith.constant 0 : i32
    %c0_i32_0 = arith.constant 0 : i32
    return %arg1, %c0_i32 : i32, i32
  }
  func.func @transform_3(%arg0: i32, %arg1: i32) -> (i32, i32) {
    %c0_i32 = arith.constant 0 : i32
    %c0_i32_0 = arith.constant 0 : i32
    %c0_i32_1 = arith.constant 0 : i32
    return %c0_i32, %c0_i32_0 : i32, i32
  }
  func.func @transform_4(%arg0: i32, %arg1: i32) -> (i32, i32, i32) {
    %c0_i32 = arith.constant 0 : i32
    %c0_i32_0 = arith.constant 0 : i32
    return %arg0, %arg1, %c0_i32 : i32, i32, i32
  }
  func.func @transform_5(%arg0: i32, %arg1: i32) -> (i32, i32, i32) {
    %c0_i32 = arith.constant 0 : i32
    %c0_i32_0 = arith.constant 0 : i32
    %c0_i32_1 = arith.constant 0 : i32
    return %arg0, %c0_i32, %c0_i32_0 : i32, i32, i32
  }
}

module attributes {stable_mosaic.version = 14 : i64} {
  func.func @_t4_body(%arg0: i32, %arg1: i32, %arg2: memref<1x400x128xf32, #tpu.memory_space<vmem>>, %arg3: memref<1x1x128xf32, #tpu.memory_space<vmem>>, %arg4: memref<1x1x128xf32, #tpu.memory_space<vmem>>, %arg5: memref<1x400x128xf32, #tpu.memory_space<vmem>>) attributes {dimension_semantics = [#tpu.dimension_semantics<arbitrary>, #tpu.dimension_semantics<arbitrary>], iteration_bounds = array<i64: 12, 25>, scalar_prefetch = 0 : i64, scratch_operands = 0 : i64, tpu.core_type = #tpu.core_type<tc>, window_params = [{transform_indices = @transform_0, window_bounds = array<i64: 1, 400, 128>}, {transform_indices = @transform_1, window_bounds = array<i64: 1, 1, 128>}, {transform_indices = @transform_2, window_bounds = array<i64: 1, 1, 128>}, {transform_indices = @transform_3, window_bounds = array<i64: 1, 400, 128>}]} {
    %get3A = arith.constant 0 : index
    %get3A_0 = arith.constant 0 : index
    %get3A_1 = arith.constant 0 : index
    %get3A_2 = vector.load %arg2[%get3A, %get3A_0, %get3A_1] : memref<1x400x128xf32, #tpu.memory_space<vmem>>, vector<1x400x128xf32>
    %get3A_3 = vector.shape_cast %get3A_2 : vector<1x400x128xf32> to vector<400x128xf32>
    %get3A_4 = arith.constant 0 : index
    %get3A_5 = arith.constant 0 : index
    %get3A_6 = arith.constant 0 : index
    %get3A_7 = vector.load %arg3[%get3A_4, %get3A_5, %get3A_6] : memref<1x1x128xf32, #tpu.memory_space<vmem>>, vector<1x1x128xf32>
    %get3A_8 = vector.shape_cast %get3A_7 : vector<1x1x128xf32> to vector<1x128xf32>
    %mul3A = vector.broadcast %get3A_8 : vector<1x128xf32> to vector<400x128xf32>
    %mul3A_9 = arith.mulf %get3A_3, %mul3A : vector<400x128xf32>
    %get3A_10 = arith.constant 0 : index
    %get3A_11 = arith.constant 0 : index
    %get3A_12 = arith.constant 0 : index
    %get3A_13 = vector.load %arg4[%get3A_10, %get3A_11, %get3A_12] : memref<1x1x128xf32, #tpu.memory_space<vmem>>, vector<1x1x128xf32>
    %get3A_14 = vector.shape_cast %get3A_13 : vector<1x1x128xf32> to vector<1x128xf32>
    %add3A = vector.broadcast %get3A_14 : vector<1x128xf32> to vector<400x128xf32>
    %add3A_15 = arith.addf %mul3A_9, %add3A : vector<400x128xf32>
    %max3A = arith.constant 0.000000e+00 : f32
    %max3A_16 = vector.broadcast %max3A : f32 to vector<400x128xf32>
    %max3A_17 = arith.maximumf %add3A_15, %max3A_16 : vector<400x128xf32>
    %swap3A = arith.constant 0 : index
    %swap3A_18 = arith.constant 0 : index
    %swap3A_19 = arith.constant 0 : index
    %swap3A_20 = vector.load %arg5[%swap3A, %swap3A_18, %swap3A_19] : memref<1x400x128xf32, #tpu.memory_space<vmem>>, vector<1x400x128xf32>
    %swap3A_21 = vector.shape_cast %swap3A_20 : vector<1x400x128xf32> to vector<400x128xf32>
    %swap3A_22 = vector.shape_cast %max3A_17 : vector<400x128xf32> to vector<1x400x128xf32>
    tpu.vector_store %arg5[%swap3A, %swap3A_18, %swap3A_19], %swap3A_22 {strides = array<i32>} : memref<1x400x128xf32, #tpu.memory_space<vmem>>, vector<1x400x128xf32>,
    return
  }
  func.func @transform_0(%arg0: i32, %arg1: i32) -> (i32, i32, i32) {
    %c0_i32 = arith.constant 0 : i32
    %c0_i32_0 = arith.constant 0 : i32
    return %arg0, %arg1, %c0_i32 : i32, i32, i32
  }
  func.func @transform_1(%arg0: i32, %arg1: i32) -> (i32, i32, i32) {
    %c0_i32 = arith.constant 0 : i32
    %c0_i32_0 = arith.constant 0 : i32
    %c0_i32_1 = arith.constant 0 : i32
    return %arg0, %c0_i32, %c0_i32_0 : i32, i32, i32
  }
  func.func @transform_2(%arg0: i32, %arg1: i32) -> (i32, i32, i32) {
    %c0_i32 = arith.constant 0 : i32
    %c0_i32_0 = arith.constant 0 : i32
    %c0_i32_1 = arith.constant 0 : i32
    return %arg0, %c0_i32, %c0_i32_0 : i32, i32, i32
  }
  func.func @transform_3(%arg0: i32, %arg1: i32) -> (i32, i32, i32) {
    %c0_i32 = arith.constant 0 : i32
    %c0_i32_0 = arith.constant 0 : i32
    return %arg0, %arg1, %c0_i32 : i32, i32, i32
  }
}

</mosaic_0001>

<sc_bundles>
// kernel: kernel.11.cloned.1.call-start
scs
__scs_entry_jumppad:
0x0: {  	(pc) =	sbr.rel $0x88, $3  }
0x1: {  	(tag) =	ssettag $0x0;
	lr =	simm.s32 $0x1  }
0x2: {  	[smem:$0x3F97] =	sst lr;
	_ =	strace $0xD0000000  }
0x3: {  	_ = 	snop  }
0x4: {  	_ = 	snop  }
0x5: {  	_ = 	snop  }
0x6: {  	_ = 	snop  }
0x7: {  	_ = 	snop  }
__scs_overlays_trampoline_lowered:
0x8: {  	[smem:$0x3FA6] =	sst s0  }
0x9: {  	[smem:$0x3FA7] =	sst s1  }
0xa: {  	[smem:$0x3FA8] =	sst s2  }
0xb: {  	[smem:$0x3FA9] =	sst s3  }
0xc: {  	[smem:$0x3FAA] =	sst s4  }
0xd: {  	[smem:$0x3FAB] =	sst s5  }
0xe: {  	[smem:$0x3FAC] =	sst s6  }
0xf: {  	[smem:$0x3FAD] =	sst s7  }
0x10: {  	[smem:$0x3FAE] =	sst s8  }
0x11: {  	[smem:$0x3FAF] =	sst s9;
	s0 =	simm.s32 @!p0 $0x0  }
0x12: {  	s1 =	sld [smem:$0x3F95];
	s0 =	simm.s32 @p0 $0x1  }
0x13: {  	[smem:$0x3FB0] =	sst s0;
	s0 =	simm.s32 @!p1 $0x0  }
0x14: {  	s2 =	sld [smem:$0x3F94];
	s0 =	simm.s32 @p1 $0x1  }
0x15: {  	[smem:$0x3FB1] =	sst s0;
	s0 =	simm.s32 @!p2 $0x0  }
0x16: {  	s3 =	sld [smem:$0x3FDB];
	s0 =	simm.s32 @p2 $0x1  }
0x17: {  	s4 =	simm.s32 $0x1BF5;
	[smem:$0x3FB3] =	sst s0  }
0x18: {  	s0 =	sld [smem:$0x3F96];
	_ =	swait.ge [sflag:s4], $0x0  }
0x19: {  	s7 =	sld [smem:$0x3F97]  }
0x1a: {  	s8 =	sadd.s32 $0xFFFFE003, lr  }
0x1b: {  	s9 =	sadd.s32 $0xFFFFFEF7, lr;
	s5 =	simm.s32 $0xFFFFFFFF;
	p2 =	slt.u32 s8, $0xFFFFF086  }
0x1c: {  	p1 =	slt.u32 s9, $0xF7A;
	s5 =	simm.s32 @!p2 $0x0  }
0x1d: {  	s5 =	simm.s32 @p1 $0x1;
	p0 =	seq.s32 s7, s2  }
0x1e: {  	s7 =	smul.u32 @!p0 $0xF7A, s2;
	p2 =	seq.s32 @!p0 s5, $0x0  }
0x1f: {  	s9 =	smul.u32 $0xF7A, s1;
	s8 =	simm.s32 @!p0 $0x1BF5;
	p2 =	por !p2, p0  }
0x20: {  	[sflag:s8] =	ssyncset.s32 @!p0 $0xFFFFF086;
	s6 =	sadd.s32 @!p0 s3, s7;
	s7 =	simm.s32 @!p0 $0x108  }
0x21: {  	s3 =	sadd.s32 s3, s9;
	s6 =	sadd.s32 @!p0 $0x88, s6;
	s7 =	simm.s32 @p2 $0x1082  }
0x22: {  	[simem:s7], [sflag:s8] =	dma.local @!p0 [hbm:s6], $0xF7A  }
0x23: {  	s9 =	sor.u32 $0xD0000000, s2;
	s6 =	simm.s32 $0x108;
	_ =	swait.ge @!p0 [sflag:s8], $0x0  }
0x24: {  	s3 =	sadd.s32 $0x88, s3;
	s6 =	simm.s32 @!p1 $0x1082;
	[sflag:s4] =	ssyncset.s32 $0xFFFFF086  }
0x25: {  	[simem:s6], [sflag:s4] =	dma.local [hbm:s3], $0xF7A  }
0x26: {  	[smem:$0x3F97] =	sst s1;
	(tag) =	ssettag s2;
	_ =	strace s9  }
0x27: {  	s1 =	sld [smem:$0x3FA7]  }
0x28: {  	s2 =	sld [smem:$0x3FA8]  }
0x29: {  	s4 =	sld [smem:$0x3FAA]  }
0x2a: {  	p0 =	seq.s32 s5, $0x0;
	s5 =	sld [smem:$0x3FAB]  }
0x2b: {  	s6 =	sld [smem:$0x3FAC]  }
0x2c: {  	s7 =	sld [smem:$0x3FAD]  }
0x2d: {  	s3 =	simm.s32 $0x108;
	s8 =	sld [smem:$0x3FAE]  }
0x2e: {  	s3 =	simm.s32 @!p0 $0x1082;
	s9 =	sld [smem:$0x3FAF]  }
0x2f: {  	lr =	sadd.s32 s0, s3;
	s0 =	sld [smem:$0x3FA6]  }
0x30: {  	s3 =	sld [smem:$0x3FA9]  }
0x31: {  	[smem:$0x3FB2] =	sst s10  }
0x32: {  	s10 =	sld [smem:$0x3FB0];
	_ =	sdelay $0x3  }
0x33: {  	p0 =	seq.s32 s10, $0x1;
	s10 =	sld [smem:$0x3FB2];
	_ =	sdelay $0x3  }
0x34: {  	[smem:$0x3FB2] =	sst s10  }
0x35: {  	s10 =	sld [smem:$0x3FB1];
	_ =	sdelay $0x3  }
0x36: {  	p1 =	seq.s32 s10, $0x1;
	s10 =	sld [smem:$0x3FB2];
	_ =	sdelay $0x3  }
0x37: {  	[smem:$0x3FB2] =	sst s10  }
0x38: {  	s10 =	sld [smem:$0x3FB3]  }
0x39: {  	_ = 	snop;
	(pc) =	sbr.ind lr, $3  }
0x3a: {  	_ = 	snop  }
0x3b: {  	_ = 	snop  }
0x3c: {  	p2 =	seq.s32 s10, $0x1;
	s10 =	sld [smem:$0x3FB2]  }
0x3d: {  	_ =	shalt  }
0x3e: {  	_ =	shalt  }
0x3f: {  	_ =	shalt  }
0x40: {  	_ =	shalt  }
0x41: {  	_ =	shalt  }
0x42: {  	_ =	shalt  }
0x43: {  	_ =	shalt  }
0x44: {  	_ =	shalt  }
0x45: {  	_ =	shalt  }
0x46: {  	_ =	shalt  }
0x47: {  	_ =	shalt  }
0x48: {  	_ =	shalt  }
0x49: {  	_ =	shalt  }
0x4a: {  	_ =	shalt  }
0x4b: {  	_ =	shalt  }
0x4c: {  	_ =	shalt  }
0x4d: {  	_ =	shalt  }
0x4e: {  	_ =	shalt  }
0x4f: {  	_ =	shalt  }
0x50: {  	_ =	shalt  }
0x51: {  	_ =	shalt  }
0x52: {  	_ =	shalt  }
0x53: {  	_ =	shalt  }
0x54: {  	_ =	shalt  }
0x55: {  	_ =	shalt  }
0x56: {  	_ =	shalt  }
0x57: {  	_ =	shalt  }
0x58: {  	_ =	shalt  }
0x59: {  	_ =	shalt  }
0x5a: {  	_ =	shalt  }
0x5b: {  	_ =	shalt  }
0x5c: {  	_ =	shalt  }
0x5d: {  	_ =	shalt  }
0x5e: {  	_ =	shalt  }
0x5f: {  	_ =	shalt  }
0x60: {  	_ =	shalt  }
0x61: {  	_ =	shalt  }
0x62: {  	_ =	shalt  }
0x63: {  	_ =	shalt  }
0x64: {  	_ =	shalt  }
0x65: {  	_ =	shalt  }
0x66: {  	_ =	shalt  }
0x67: {  	_ =	shalt  }
0x68: {  	_ =	shalt  }
0x69: {  	_ =	shalt  }
0x6a: {  	_ =	shalt  }
0x6b: {  	_ =	shalt  }
0x6c: {  	_ =	shalt  }
0x6d: {  	_ =	shalt  }
0x6e: {  	_ =	shalt  }
0x6f: {  	_ =	shalt  }
0x70: {  	_ =	shalt  }
0x71: {  	_ =	shalt  }
0x72: {  	_ =	shalt  }
0x73: {  	_ =	shalt  }
0x74: {  	_ =	shalt  }
0x75: {  	_ =	shalt  }
0x76: {  	_ =	shalt  }
0x77: {  	_ =	shalt  }
0x78: {  	_ =	shalt  }
0x79: {  	_ =	shalt  }
0x7a: {  	_ =	shalt  }
0x7b: {  	_ =	shalt  }
0x7c: {  	_ =	shalt  }
0x7d: {  	_ =	shalt  }
0x7e: {  	_ =	shalt  }
0x7f: {  	_ =	shalt  }
0x80: {  	_ =	shalt  }
0x81: {  	_ =	shalt  }
0x82: {  	_ =	shalt  }
0x83: {  	_ =	shalt  }
0x84: {  	_ =	shalt  }
0x85: {  	_ =	shalt  }
0x86: {  	_ =	shalt  }
0x87: {  	_ =	shalt  }
.Lfunc_end0:
.L_simem_size_0:
called_computation.1_lowered:
.L_overlay_start_0:
0x88: {  	s2 =	sld [smem:$0x3FD9]  }
0x89: {  	s3 =	sld [smem:$0x3FFE];
	_ =	sdelay $0x1  }
0x8a: {  	s1 =	srdreg.scid  }
0x8b: {  	s0 =	sand.u32 $0x1, s1  }
0x8c: {  	s16 =	sshll.u32 s0, $0xA;
	s2 =	sadd.s32 s3, s2  }
0x8d: {  	s2 =	sadd.s32 s2, s16  }
0x8e: {  	[smem:$0x3FBE] =	sst s2  }
0x8f: {  	_ = 	snop  }
0x90: {  	(tm) =	ssettm $0x1  }
0x91: {  	s17 =	sld [smem:$0x3FFB];
	_ =	sdelay $0x3  }
0x92: {  	_ =	strace s17  }
0x93: {  	s2 =	sld [smem:$0x3FFC];
	_ =	sdelay $0x3  }
0x94: {  	_ =	strace s2  }
0x95: {  	s2 =	sld [smem:$0x3FFD];
	_ =	sdelay $0x3  }
0x96: {  	_ =	strace s2  }
0x97: {  	_ =	strace $0x8FFFFFFF  }
0x98: {  	s18 =	sld [smem:$0x3FDB];
	_ =	sdelay $0x1  }
0x99: {  	s19 =	simm.s32 $_scs_section_size  }
0x9a: {  	s4 =	simm.s32 $_size__tile_overlayer_lowered;
	s5 =	simm.s32 $_tile_overlayer_lowered  }
0x9b: {  	s22 =	simm.s32 $0x1BFF;
	s21 =	sshll.u32 s5, $0x1;
	s2 =	sadd.s32 s19, s18  }
0x9c: {  	s6 =	simm.s32 $0x0;
	s20 =	sshll.u32 s4, $0x1;
	s4 =	sadd.s32 s21, s2  }
0x9d: {  	[timem:s6], [sflag:s22] =	dma.local [hbm:s4], s20  }
0x9e: {  	_ =	swait.ge [sflag:s22], s20  }
0x9f: {  	s3 =	ssub.s32 $0x0, s20;
	[sflag:s22] =	ssyncset.done $0x0  }
0xa0: {  	[sflag:s22] =	ssyncadd.s32 s3;
	_ =	sdelay $0x1  }
0xa1: {  	s23 =	simm.s32 $0x1B8B  }
0xa2: {  	_ =	swait.ge [sflag:s23], $0x1  }
0xa3: {  	[sflag:s23] =	ssyncset.done $0x0  }
0xa4: {  	s25 =	simm.s32 $0x1B8E;
	s24 =	sld [smem:$0x3FFE];
	[sflag:s23] =	ssyncadd.s32 $0xFFFFFFFF  }
0xa5: {  	s26 =	simm.s32 $execute0_lowered;
	[smem:$0x3FD2] =	sst s25  }
0xa6: {  	s4 =	sshll.u32 s26, $0x1;
	_ =	strace $0x80000049;
	[dreg:$0x1] =	wrdreg $0xFFFFFFFF  }
0xa7: {  	s28 =	simm.s32 $_size_execute0_lowered;
	s2 =	sadd.s32 s2, s4;
	[dreg:$0x0] =	wrdreg $0x0  }
0xa8: {  	s4 =	sshll.u32 s28, $0x1;
	[dreg:$0x2] =	wrdreg s2  }
0xa9: {  	[dreg:$0x3] =	wrdreg s4  }
0xaa: {  	[dreg:$0x4] =	wrdreg $0xC0  }
0xab: {  	_ =	task [dreg:s6], $0x5FFFF  }
0xac: {  	[dreg:$0x1] =	wrdreg $0xFFFFFFFF  }
0xad: {  	[dreg:$0x0] =	wrdreg $0x60  }
0xae: {  	[dreg:$0x2] =	wrdreg s24  }
0xaf: {  	[dreg:$0x3] =	wrdreg $0xB4000  }
0xb0: {  	[dreg:$0x4] =	wrdreg $0x9  }
0xb1: {  	_ =	task.clear_ibuf [dreg:s6], $0x5FFFF;
	_ =	strace $0x90000049  }
0xb2: {  	s29 =	simm.s32 $0x9;
	_ =	strace $0x8000004B  }
0xb3: {  	_ =	swait.ge [sflag:s29], $0x1  }
0xb4: {  	[sflag:s29] =	ssyncadd.s32 $0xFFFFFFFF  }
0xb5: {  	_ =	strace $0x9000004B  }
0xb6: {  	_ =	sfence  }
0xb7: {  	s30 =	sld [smem:$0x0];
	_ =	sdelay $0x2  }
0xb8: {  	s31 =	sshll.u32 s1, $0xD;
	s1 =	sshrl.u32 s1, $0x2  }
0xb9: {  	s3 =	sand.u32 $0x4000, s31;
	s1 =	sadd.s32 s1, s30  }
0xba: {  	s0 =	sor.u32 s3, s0;
	s1 =	sshll.u32 s1, $0x11  }
0xbb: {  	s0 =	sor.u32 s1, s0  }
0xbc: {  	s0 =	sadd.s32 $0x8F2B, s0  }
0xbd: {  	[sflag:s0] =	ssyncadd.remote.s32 $0x1  }
0xbe: {  	_ =	sfence.sel $0xFFFF  }
0xbf: {  	[dreg:$0x0] =	wrdreg $0xFFFFFFFF;
	(pc) =	sbr.abs _section_cstart, $3  }
0xc0: {  	[dreg:$0x1] =	wrdreg $0xFFFFFFFF  }
0xc1: {  	_ =	task.clear_ibuf [dreg:s6], $0x2FFFF;
	_ =	strace $0x9FFFFFFF  }
0xc2: {  	(tm) =	ssettm $0x7FFFFFFF  }
0xc3: {  	_ =	shalt  }
tec
execute0_lowered:
.L_overlay_start_1:
0x0: {  	(tag) =	ssettag $0x1  }
0x1: {  	s5 =	rddreg [dreg:$0x0]  }
0x2: {  	s1 =	rddreg [dreg:$0x1]  }
0x3: {  	s0 =	rddreg [dreg:$0x2];
	s2 =	simm.s32 $0x0;
	s8 =	srdreg.scid  }
0x4: {  	s16 =	simm.s32 $0x1800;
	s17 =	simm.s32 $0x80;
	s18 =	simm.s32 $0x4C00  }
0x5: {  	s19 =	simm.s32 $0x1;
	s20 =	simm.s32 $0x8000;
	s3 =	sadd.s32 $0xF7400, s5  }
0x6: {  	s4 =	sadd.s32 $0x61400, s5;
	s6 =	sadd.s32 $0x1C00, s5;
	s7 =	sadd.s32 $0xEC00, s5  }
0x7: {  	s9 =	sand.u32 $0x1, s8;
	s8 =	sadd.s32 $0x2CC000, s5;
	s5 =	stileid.u32  }
0x8: {  	s21 =	simm.s32 $0x3;
	s22 =	simm.s32 $0x2;
	s13 =	smul.u32 $0x4E000, s5  }
0x9: {  	s25 =	simm.s32 $0x0;
	[smem:$0x7FF] =	sst s2;
	s28 =	smul.u32 $0xEA6000, s9  }
0xa: {  	_ =	strace $0x8000004A;
	s10 =	ssub.s32 $0x2, s9;
	s31 =	smul.u32 $0x13800, s5  }
.Ltmp0:
0xb: {  	s12 =	sshll.u32 s9, $0x4;
	s30 =	sshll.u32 s5, $0x6;
	(pc) =	sbr.rel .LBB2_1-.Ltmp0, $4  }
0xc: {  	s11 =	sshrl.u32 s10, $0x1;
	s26 =	sor.u32 s5, s12;
	s9 =	sor.u32 $0x1C05, s30  }
0xd: {  	s14 =	ssub.s32 s10, s11;
	s29 =	sshrl.u32 s13, $0x2;
	s10 =	smul.u32 $0x64, s26  }
0xe: {  	s11 =	sadd.s32 s28, s31;
	s15 =	sadd.s32 s29, s1;
	s12 =	smax.u32 s14, $0x1  }
0xf: {  	s14 =	simm.s32 $0x5;
	s13 =	sshrl.u32 s15, $0x3;
	s15 =	simm.s32 $0x64  }
.LBB2_14:
0x10: {  	s2 =	sadd.s32 $0x1, s2  }
0x11: {  	p0 =	sne.s32 s2, s12  }
.Ltmp1:
0x12: {  	_ = 	snop;
	(pc) =	sbr.rel @!p0 .LBB2_15-.Ltmp1, $1  }
0x13: {  	_ =	sdelay $0x3  }
.LBB2_1:
.Ltmp2:
0x14: {  	(pc) =	sbr.rel .LBB2_2-.Ltmp2, $2  }
0x15: {  	_ =	sdelay $0x2  }
0x16: {  	s23 =	simm.s32 $0x0  }
.LBB2_13:
0x17: {  	s24 =	smul.u32 $0x138800, s23;
	_ =	sdelay $0x1  }
0x18: {  	s24 =	sadd.s32 s24, s11  }
0x19: {  	s23 =	sadd.s32 $0x1, s23;
	s24 =	sshrl.u32 s24, $0x3  }
0x1a: {  	[bflag:$0x0] =	sbarrier.arrive $0xFFFF;
	p0 =	sne.s32 s23, $0xC;
	s24 =	sadd.s32 s8, s24  }
0x1b: {  	[hbm:s24], [sflag:s9] =	dma.local [spmem:s13], $0x2800  }
.Ltmp3:
0x1c: {  	_ =	swait.ge [sflag:s14], $0x2800;
	(pc) =	sbr.rel @!p0 .LBB2_14-.Ltmp3, $3  }
0x1d: {  	[sflag:s14] =	ssyncset.done $0x0  }
0x1e: {  	[sflag:s14] =	ssyncadd.s32 $0xFFFFD800  }
0x1f: {  	[bflag:$0x0] =	sbarrier.arrive $0xFFFF;
	_ =	sdelay $0x1  }
.LBB2_2:
0x20: {  	[spmem:s13], [sflag:s9] =	dma.local [hbm:s7], $0x2800  }
.Ltmp4:
0x21: {  	_ =	swait.ge [sflag:s14], $0x2800;
	(pc) =	sbr.rel .LBB2_3-.Ltmp4, $4  }
0x22: {  	[sflag:s14] =	ssyncset.done $0x0  }
0x23: {  	[sflag:s14] =	ssyncadd.s32 $0xFFFFD800  }
0x24: {  	[bflag:$0x0] =	sbarrier.arrive $0xFFFF  }
0x25: {  	s24 =	smul.u32 $0x64000, s23;
	s26 =	simm.s32 $0x0  }
.LBB2_12:
0x26: {  	s26 =	sadd.s32 $0x1, s26  }
0x27: {  	p0 =	sne.s32 s26, $0x5  }
.Ltmp5:
0x28: {  	_ = 	snop;
	(pc) =	sbr.rel @!p0 .LBB2_13-.Ltmp5, $4  }
0x29: {  	_ = 	snop  }
0x2a: {  	_ =	swait.ge [sflag:s21], $0x3200  }
0x2b: {  	[sflag:s21] =	ssyncset.done $0x0  }
0x2c: {  	[sflag:s21] =	ssyncadd.s32 $0xFFFFCE00  }
.LBB2_3:
0x2d: {  	s28 =	smul.u32 $0x14, s26;
	_ =	sdelay $0x1  }
0x2e: {  	s28 =	sadd.s32 s10, s28  }
0x2f: {  	s29 =	sshll.u32 s28, $0x7  }
0x30: {  	s29 =	sadd.s32 s24, s29  }
0x31: {  	s29 =	sshrl.u32 s29, $0x3  }
0x32: {  	s29 =	sadd.s32 s4, s29  }
0x33: {  	[tilespmem:s25], [sflag:$0x5] =	stream.linear.gather [hbm4b:s29+s25], $0xA00, $0x38;
	[tilespmem:$0x1EC80] =	vst v63  }
0x34: {  	_ =	swait.ge [sflag:s14], $0xA00  }
0x35: {  	s28 =	sshll.u32 s28, $0x4;
	[sflag:s14] =	ssyncset.done $0x0  }
0x36: {  	s29 =	sadd.s32 s6, s28;
	s28 =	simm.s32 $0xC00;
	[sflag:s14] =	ssyncadd.s32 $0xFFFFF600  }
0x37: {  	[tilespmem:s28], [sflag:$0x5] =	stream.linear.gather [hbm4b:s29+s25], $0xA00, $0x38;
	[tilespmem:$0x1EC80] =	vst v63  }
0x38: {  	_ =	swait.ge [sflag:s14], $0xA00  }
.Ltmp6:
0x39: {  	[sflag:s14] =	ssyncset.done $0x0;
	(pc) =	sbr.rel .LBB2_4-.Ltmp6, $4  }
0x3a: {  	[sflag:s14] =	ssyncadd.s32 $0xFFFFF600  }
0x3b: {  	[tilespmem:s16], [sflag:$0x1] =	stream.indirect.gather [hbm4b:s3+s15], $0x80, s25, s15, $0xb8;
	[tilespmem:$0x1EC80] =	vst v63  }
0x3c: {  	s30 =	simm.s32 $0x0;
	s29 =	simm.s32 $0x100  }
0x3d: {  	[tilespmem:s18], [sflag:$0x1] =	stream.indirect.gather [hbm4b:s3+s15], $0x80, s17, s15, $0xb8;
	[tilespmem:$0x1EC80] =	vst v63  }
.LBB2_10:
0x3e: {  	[tilespmem:s31], [sflag:$0x1] =	stream.indirect.gather [hbm4b:s3+s15], $0x80, s29, s15, $0xb8;
	[tilespmem:$0x1EC80] =	vst v63  }
.LBB2_11:
0x3f: {  	s30 =	sadd.s32 $0x1, s30  }
0x40: {  	p0 =	sne.s32 s30, $0x14  }
.Ltmp7:
0x41: {  	_ = 	snop;
	(pc) =	sbr.rel @!p0 .LBB2_12-.Ltmp7, $2  }
0x42: {  	_ =	sdelay $0x2  }
0x43: {  	s29 =	sadd.s32 $0x80, s29;
	s28 =	sadd.s32 $0x80, s28  }
.LBB2_4:
0x44: {  	s31 =	smul.u32 $0xAB, s30;
	_ =	sdelay $0x1  }
0x45: {  	s31 =	sshrl.u32 s31, $0x9  }
0x46: {  	s31 =	sand.u32 $0x7F, s31  }
0x47: {  	s31 =	smul.u32 $0x3, s31;
	_ =	sdelay $0x1  }
0x48: {  	s31 =	ssub.s32 s30, s31  }
0x49: {  	s31 =	sand.u32 $0xFF, s31  }
0x4a: {  	p0 =	seq.s32 s31, $0x2  }
.Ltmp8:
0x4b: {  	_ = 	snop;
	(pc) =	sbr.rel @p0 .LBB2_9-.Ltmp8, $4  }
0x4c: {  	_ = 	snop  }
0x4d: {  	_ =	swait.ge [sflag:s19], $0x3200  }
0x4e: {  	[sflag:s19] =	ssyncset.done $0x0  }
0x4f: {  	[sflag:s19] =	ssyncadd.s32 $0xFFFFCE00  }
0x50: {  	p0 =	seq.s32 s31, $0x1  }
.Ltmp9:
0x51: {  	_ = 	snop;
	(pc) =	sbr.rel @!p0 .LBB2_6-.Ltmp9, $1  }
0x52: {  	_ =	sdelay $0x3  }
0x53: {  	[spmem:s1] =	stream.indirect.scatter.add.f32 [tilespmem:s18], [sflag:$0x3], $0x80, s28, s15, $0xb8;
	[tilespmem:$0x1EC80] =	vst v63  }
0x54: {  	p0 =	slt.u32 s30, $0x12  }
.Ltmp10:
0x55: {  	_ = 	snop;
	(pc) =	sbr.rel @p0 .LBB2_10-.Ltmp10, $4  }
.Ltmp11:
0x56: {  	_ = 	snop;
	(pc) =	sbr.rel @!p0 .LBB2_11-.Ltmp11, $4  }
0x57: {  	_ =	swait.ge [sflag:s22], $0x3200  }
0x58: {  	[sflag:s22] =	ssyncset.done $0x0  }
0x59: {  	s31 =	simm.s32 $0x1800;
	[sflag:s22] =	ssyncadd.s32 $0xFFFFCE00  }
0x5a: {  	_ = 	snop  }
.LBB2_9:
0x5b: {  	[spmem:s1] =	stream.indirect.scatter.add.f32 [tilespmem:s20], [sflag:$0x4], $0x80, s28, s15, $0xb8;
	[tilespmem:$0x1EC80] =	vst v63  }
0x5c: {  	p0 =	slt.u32 s30, $0x12  }
.Ltmp12:
0x5d: {  	_ = 	snop;
	(pc) =	sbr.rel @!p0 .LBB2_11-.Ltmp12, $4  }
.Ltmp13:
0x5e: {  	_ = 	snop;
	(pc) =	sbr.rel @p0 .LBB2_10-.Ltmp13, $4  }
0x5f: {  	_ =	swait.ge [sflag:s21], $0x3200  }
0x60: {  	[sflag:s21] =	ssyncset.done $0x0  }
0x61: {  	s31 =	simm.s32 $0x4C00;
	[sflag:s21] =	ssyncadd.s32 $0xFFFFCE00  }
0x62: {  	_ = 	snop  }
.LBB2_6:
0x63: {  	[spmem:s1] =	stream.indirect.scatter.add.f32 [tilespmem:s16], [sflag:$0x2], $0x80, s28, s15, $0xb8;
	[tilespmem:$0x1EC80] =	vst v63  }
0x64: {  	p0 =	seq.s32 s30, $0x0  }
0x65: {  	p1 =	slt.u32 @!p0 s30, $0x12  }
0x66: {  	p1 =	por p0, p1  }
.Ltmp14:
0x67: {  	_ = 	snop;
	(pc) =	sbr.rel @!p1 .LBB2_11-.Ltmp14, $4  }
0x68: {  	s31 =	simm.s32 @!p0 $0x4  }
0x69: {  	_ =	swait.ge @!p0 [sflag:s31], $0x3200  }
0x6a: {  	[sflag:s31] =	ssyncset.done @!p0 $0x0  }
0x6b: {  	[sflag:s31] =	ssyncadd.s32 @!p0 $0xFFFFCE00  }
.Ltmp15:
0x6c: {  	(pc) =	sbr.rel .LBB2_10-.Ltmp15, $3  }
0x6d: {  	_ =	sdelay $0x1  }
0x6e: {  	s31 =	simm.s32 @!p0 $0x8000  }
0x6f: {  	s31 =	simm.s32 @p0 $0x8000  }
.LBB2_15:
0x70: {  	_ =	sfence.sel $0x180000  }
0x71: {  	[bflag:$0x0] =	sbarrier.arrive $0xFFFF  }
0x72: {  	p0 =	sne.s32 s5, $0x0;
	_ =	strace $0x9000004A  }
0x73: {  	s0 =	sadd.s32 @!p0 $0x100000, s0;
	[bflag:$0x2] =	sbarrier.arrive $0xFFFF  }
0x74: {  	[sflag:s0] =	ssyncadd.tile.s32 @!p0 $0x1;
	_ =	shalt  }
.Lfunc_end2:
_tile_overlayer_lowered:
.L_overlay_start_2:
0x75: {  	(tag) =	ssettag $0x2  }
0x76: {  	s0 =	rddreg [dreg:$0x0];
	s2 =	stileid.u32  }
0x77: {  	s1 =	rddreg [dreg:$0x1];
	p0 =	sne.s32 s2, $0x0  }
0x78: {  	s3 =	rddreg [dreg:$0x2];
	[bflag:$0x3] =	sbarrier.arrive $0xFFFF;
	s2 =	simm.s32 @!p0 $0x1C05  }
0x79: {  	[timem:s3], [sflag:s2] =	dma.local @!p0 [hbm:s0], s1  }
0x7a: {  	s0 =	simm.s32 @!p0 $0x5  }
0x7b: {  	_ =	swait.ge @!p0 [sflag:s0], s1  }
0x7c: {  	s1 =	ssub.s32 @!p0 $0x0, s1;
	[sflag:s0] =	ssyncset.done @!p0 $0x0  }
0x7d: {  	[sflag:s0] =	ssyncadd.s32 @!p0 s1  }
0x7e: {  	[bflag:$0x3] =	sbarrier.arrive $0xFFFF  }
0x7f: {  	_ =	shalt  }

// kernel: kernel.8.cloned.1.call-start
scs
__scs_entry_jumppad:
0x0: {  	(pc) =	sbr.rel $0x88, $3  }
0x1: {  	(tag) =	ssettag $0x0;
	lr =	simm.s32 $0x1  }
0x2: {  	[smem:$0x3F97] =	sst lr;
	_ =	strace $0xD0000000  }
0x3: {  	_ = 	snop  }
0x4: {  	_ = 	snop  }
0x5: {  	_ = 	snop  }
0x6: {  	_ = 	snop  }
0x7: {  	_ = 	snop  }
__scs_overlays_trampoline_lowered:
0x8: {  	[smem:$0x3FA6] =	sst s0  }
0x9: {  	[smem:$0x3FA7] =	sst s1  }
0xa: {  	[smem:$0x3FA8] =	sst s2  }
0xb: {  	[smem:$0x3FA9] =	sst s3  }
0xc: {  	[smem:$0x3FAA] =	sst s4  }
0xd: {  	[smem:$0x3FAB] =	sst s5  }
0xe: {  	[smem:$0x3FAC] =	sst s6  }
0xf: {  	[smem:$0x3FAD] =	sst s7  }
0x10: {  	[smem:$0x3FAE] =	sst s8  }
0x11: {  	[smem:$0x3FAF] =	sst s9;
	s0 =	simm.s32 @!p0 $0x0  }
0x12: {  	s1 =	sld [smem:$0x3F95];
	s0 =	simm.s32 @p0 $0x1  }
0x13: {  	[smem:$0x3FB0] =	sst s0;
	s0 =	simm.s32 @!p1 $0x0  }
0x14: {  	s2 =	sld [smem:$0x3F94];
	s0 =	simm.s32 @p1 $0x1  }
0x15: {  	[smem:$0x3FB1] =	sst s0;
	s0 =	simm.s32 @!p2 $0x0  }
0x16: {  	s3 =	sld [smem:$0x3FDB];
	s0 =	simm.s32 @p2 $0x1  }
0x17: {  	s4 =	simm.s32 $0x1BF5;
	[smem:$0x3FB3] =	sst s0  }
0x18: {  	s0 =	sld [smem:$0x3F96];
	_ =	swait.ge [sflag:s4], $0x0  }
0x19: {  	s7 =	sld [smem:$0x3F97]  }
0x1a: {  	s8 =	sadd.s32 $0xFFFFE003, lr  }
0x1b: {  	s9 =	sadd.s32 $0xFFFFFEF7, lr;
	s5 =	simm.s32 $0xFFFFFFFF;
	p2 =	slt.u32 s8, $0xFFFFF086  }
0x1c: {  	p1 =	slt.u32 s9, $0xF7A;
	s5 =	simm.s32 @!p2 $0x0  }
0x1d: {  	s5 =	simm.s32 @p1 $0x1;
	p0 =	seq.s32 s7, s2  }
0x1e: {  	s7 =	smul.u32 @!p0 $0xF7A, s2;
	p2 =	seq.s32 @!p0 s5, $0x0  }
0x1f: {  	s9 =	smul.u32 $0xF7A, s1;
	s8 =	simm.s32 @!p0 $0x1BF5;
	p2 =	por !p2, p0  }
0x20: {  	[sflag:s8] =	ssyncset.s32 @!p0 $0xFFFFF086;
	s6 =	sadd.s32 @!p0 s3, s7;
	s7 =	simm.s32 @!p0 $0x108  }
0x21: {  	s3 =	sadd.s32 s3, s9;
	s6 =	sadd.s32 @!p0 $0x88, s6;
	s7 =	simm.s32 @p2 $0x1082  }
0x22: {  	[simem:s7], [sflag:s8] =	dma.local @!p0 [hbm:s6], $0xF7A  }
0x23: {  	s9 =	sor.u32 $0xD0000000, s2;
	s6 =	simm.s32 $0x108;
	_ =	swait.ge @!p0 [sflag:s8], $0x0  }
0x24: {  	s3 =	sadd.s32 $0x88, s3;
	s6 =	simm.s32 @!p1 $0x1082;
	[sflag:s4] =	ssyncset.s32 $0xFFFFF086  }
0x25: {  	[simem:s6], [sflag:s4] =	dma.local [hbm:s3], $0xF7A  }
0x26: {  	[smem:$0x3F97] =	sst s1;
	(tag) =	ssettag s2;
	_ =	strace s9  }
0x27: {  	s1 =	sld [smem:$0x3FA7]  }
0x28: {  	s2 =	sld [smem:$0x3FA8]  }
0x29: {  	s4 =	sld [smem:$0x3FAA]  }
0x2a: {  	p0 =	seq.s32 s5, $0x0;
	s5 =	sld [smem:$0x3FAB]  }
0x2b: {  	s6 =	sld [smem:$0x3FAC]  }
0x2c: {  	s7 =	sld [smem:$0x3FAD]  }
0x2d: {  	s3 =	simm.s32 $0x108;
	s8 =	sld [smem:$0x3FAE]  }
0x2e: {  	s3 =	simm.s32 @!p0 $0x1082;
	s9 =	sld [smem:$0x3FAF]  }
0x2f: {  	lr =	sadd.s32 s0, s3;
	s0 =	sld [smem:$0x3FA6]  }
0x30: {  	s3 =	sld [smem:$0x3FA9]  }
0x31: {  	[smem:$0x3FB2] =	sst s10  }
0x32: {  	s10 =	sld [smem:$0x3FB0];
	_ =	sdelay $0x3  }
0x33: {  	p0 =	seq.s32 s10, $0x1;
	s10 =	sld [smem:$0x3FB2];
	_ =	sdelay $0x3  }
0x34: {  	[smem:$0x3FB2] =	sst s10  }
0x35: {  	s10 =	sld [smem:$0x3FB1];
	_ =	sdelay $0x3  }
0x36: {  	p1 =	seq.s32 s10, $0x1;
	s10 =	sld [smem:$0x3FB2];
	_ =	sdelay $0x3  }
0x37: {  	[smem:$0x3FB2] =	sst s10  }
0x38: {  	s10 =	sld [smem:$0x3FB3]  }
0x39: {  	_ = 	snop;
	(pc) =	sbr.ind lr, $3  }
0x3a: {  	_ = 	snop  }
0x3b: {  	_ = 	snop  }
0x3c: {  	p2 =	seq.s32 s10, $0x1;
	s10 =	sld [smem:$0x3FB2]  }
0x3d: {  	_ =	shalt  }
0x3e: {  	_ =	shalt  }
0x3f: {  	_ =	shalt  }
0x40: {  	_ =	shalt  }
0x41: {  	_ =	shalt  }
0x42: {  	_ =	shalt  }
0x43: {  	_ =	shalt  }
0x44: {  	_ =	shalt  }
0x45: {  	_ =	shalt  }
0x46: {  	_ =	shalt  }
0x47: {  	_ =	shalt  }
0x48: {  	_ =	shalt  }
0x49: {  	_ =	shalt  }
0x4a: {  	_ =	shalt  }
0x4b: {  	_ =	shalt  }
0x4c: {  	_ =	shalt  }
0x4d: {  	_ =	shalt  }
0x4e: {  	_ =	shalt  }
0x4f: {  	_ =	shalt  }
0x50: {  	_ =	shalt  }
0x51: {  	_ =	shalt  }
0x52: {  	_ =	shalt  }
0x53: {  	_ =	shalt  }
0x54: {  	_ =	shalt  }
0x55: {  	_ =	shalt  }
0x56: {  	_ =	shalt  }
0x57: {  	_ =	shalt  }
0x58: {  	_ =	shalt  }
0x59: {  	_ =	shalt  }
0x5a: {  	_ =	shalt  }
0x5b: {  	_ =	shalt  }
0x5c: {  	_ =	shalt  }
0x5d: {  	_ =	shalt  }
0x5e: {  	_ =	shalt  }
0x5f: {  	_ =	shalt  }
0x60: {  	_ =	shalt  }
0x61: {  	_ =	shalt  }
0x62: {  	_ =	shalt  }
0x63: {  	_ =	shalt  }
0x64: {  	_ =	shalt  }
0x65: {  	_ =	shalt  }
0x66: {  	_ =	shalt  }
0x67: {  	_ =	shalt  }
0x68: {  	_ =	shalt  }
0x69: {  	_ =	shalt  }
0x6a: {  	_ =	shalt  }
0x6b: {  	_ =	shalt  }
0x6c: {  	_ =	shalt  }
0x6d: {  	_ =	shalt  }
0x6e: {  	_ =	shalt  }
0x6f: {  	_ =	shalt  }
0x70: {  	_ =	shalt  }
0x71: {  	_ =	shalt  }
0x72: {  	_ =	shalt  }
0x73: {  	_ =	shalt  }
0x74: {  	_ =	shalt  }
0x75: {  	_ =	shalt  }
0x76: {  	_ =	shalt  }
0x77: {  	_ =	shalt  }
0x78: {  	_ =	shalt  }
0x79: {  	_ =	shalt  }
0x7a: {  	_ =	shalt  }
0x7b: {  	_ =	shalt  }
0x7c: {  	_ =	shalt  }
0x7d: {  	_ =	shalt  }
0x7e: {  	_ =	shalt  }
0x7f: {  	_ =	shalt  }
0x80: {  	_ =	shalt  }
0x81: {  	_ =	shalt  }
0x82: {  	_ =	shalt  }
0x83: {  	_ =	shalt  }
0x84: {  	_ =	shalt  }
0x85: {  	_ =	shalt  }
0x86: {  	_ =	shalt  }
0x87: {  	_ =	shalt  }
.Lfunc_end0:
.L_simem_size_0:
called_computation_lowered:
.L_overlay_start_0:
0x88: {  	s2 =	sld [smem:$0x3FD9]  }
0x89: {  	s3 =	sld [smem:$0x3FFE];
	_ =	sdelay $0x1  }
0x8a: {  	s1 =	srdreg.scid  }
0x8b: {  	s0 =	sand.u32 $0x1, s1  }
0x8c: {  	s16 =	sshll.u32 s0, $0xA;
	s2 =	sadd.s32 s3, s2  }
0x8d: {  	s2 =	sadd.s32 s2, s16  }
0x8e: {  	[smem:$0x3FBE] =	sst s2  }
0x8f: {  	_ = 	snop  }
0x90: {  	(tm) =	ssettm $0x1  }
0x91: {  	s17 =	sld [smem:$0x3FFB];
	_ =	sdelay $0x3  }
0x92: {  	_ =	strace s17  }
0x93: {  	s2 =	sld [smem:$0x3FFC];
	_ =	sdelay $0x3  }
0x94: {  	_ =	strace s2  }
0x95: {  	s2 =	sld [smem:$0x3FFD];
	_ =	sdelay $0x3  }
0x96: {  	_ =	strace s2  }
0x97: {  	_ =	strace $0x8FFFFFFF  }
0x98: {  	s18 =	sld [smem:$0x3FDB];
	_ =	sdelay $0x1  }
0x99: {  	s19 =	simm.s32 $_scs_section_size  }
0x9a: {  	s4 =	simm.s32 $_size__tile_overlayer_lowered;
	s5 =	simm.s32 $_tile_overlayer_lowered  }
0x9b: {  	s22 =	simm.s32 $0x1BFF;
	s21 =	sshll.u32 s5, $0x1;
	s2 =	sadd.s32 s19, s18  }
0x9c: {  	s6 =	simm.s32 $0x0;
	s20 =	sshll.u32 s4, $0x1;
	s4 =	sadd.s32 s21, s2  }
0x9d: {  	[timem:s6], [sflag:s22] =	dma.local [hbm:s4], s20  }
0x9e: {  	_ =	swait.ge [sflag:s22], s20  }
0x9f: {  	s3 =	ssub.s32 $0x0, s20;
	[sflag:s22] =	ssyncset.done $0x0  }
0xa0: {  	[sflag:s22] =	ssyncadd.s32 s3;
	_ =	sdelay $0x1  }
0xa1: {  	s23 =	simm.s32 $0x1B8B  }
0xa2: {  	_ =	swait.ge [sflag:s23], $0x1  }
0xa3: {  	[sflag:s23] =	ssyncset.done $0x0  }
0xa4: {  	s25 =	simm.s32 $0x1B8E;
	s24 =	sld [smem:$0x3FFE];
	[sflag:s23] =	ssyncadd.s32 $0xFFFFFFFF  }
0xa5: {  	s26 =	simm.s32 $execute0_lowered;
	[smem:$0x3FD2] =	sst s25  }
0xa6: {  	s4 =	sshll.u32 s26, $0x1;
	_ =	strace $0x80000046;
	[dreg:$0x1] =	wrdreg $0xFFFFFFFF  }
0xa7: {  	s28 =	simm.s32 $_size_execute0_lowered;
	s2 =	sadd.s32 s2, s4;
	[dreg:$0x0] =	wrdreg $0x0  }
0xa8: {  	s4 =	sshll.u32 s28, $0x1;
	[dreg:$0x2] =	wrdreg s2  }
0xa9: {  	[dreg:$0x3] =	wrdreg s4  }
0xaa: {  	[dreg:$0x4] =	wrdreg $0xC0  }
0xab: {  	_ =	task [dreg:s6], $0x5FFFF  }
0xac: {  	[dreg:$0x1] =	wrdreg $0xFFFFFFFF  }
0xad: {  	[dreg:$0x0] =	wrdreg $0x60  }
0xae: {  	[dreg:$0x2] =	wrdreg s24  }
0xaf: {  	[dreg:$0x3] =	wrdreg $0x34800  }
0xb0: {  	[dreg:$0x4] =	wrdreg $0x9  }
0xb1: {  	_ =	task.clear_ibuf [dreg:s6], $0x5FFFF;
	_ =	strace $0x90000046  }
0xb2: {  	s29 =	simm.s32 $0x9;
	_ =	strace $0x80000048  }
0xb3: {  	_ =	swait.ge [sflag:s29], $0x1  }
0xb4: {  	[sflag:s29] =	ssyncadd.s32 $0xFFFFFFFF  }
0xb5: {  	_ =	strace $0x90000048  }
0xb6: {  	_ =	sfence  }
0xb7: {  	s30 =	sld [smem:$0x0];
	_ =	sdelay $0x2  }
0xb8: {  	s31 =	sshll.u32 s1, $0xD;
	s1 =	sshrl.u32 s1, $0x2  }
0xb9: {  	s3 =	sand.u32 $0x4000, s31;
	s1 =	sadd.s32 s1, s30  }
0xba: {  	s0 =	sor.u32 s3, s0;
	s1 =	sshll.u32 s1, $0x11  }
0xbb: {  	s0 =	sor.u32 s1, s0  }
0xbc: {  	s0 =	sadd.s32 $0x8F2B, s0  }
0xbd: {  	[sflag:s0] =	ssyncadd.remote.s32 $0x1  }
0xbe: {  	_ =	sfence.sel $0xFFFF  }
0xbf: {  	[dreg:$0x0] =	wrdreg $0xFFFFFFFF;
	(pc) =	sbr.abs _section_cstart, $3  }
0xc0: {  	[dreg:$0x1] =	wrdreg $0xFFFFFFFF  }
0xc1: {  	_ =	task.clear_ibuf [dreg:s6], $0x2FFFF;
	_ =	strace $0x9FFFFFFF  }
0xc2: {  	(tm) =	ssettm $0x7FFFFFFF  }
0xc3: {  	_ =	shalt  }
tec
execute0_lowered:
.L_overlay_start_1:
0x0: {  	(tag) =	ssettag $0x1  }
0x1: {  	s6 =	rddreg [dreg:$0x0]  }
0x2: {  	s0 =	srdreg.scid;
	s2 =	stileid.u32  }
0x3: {  	s1 =	rddreg [dreg:$0x1];
	s3 =	simm.s32 $0x0;
	s8 =	smul.u32 $0x14000, s2  }
0x4: {  	s13 =	simm.s32 $0x64;
	s14 =	simm.s32 $0x0;
	s10 =	smul.u32 $0x50000, s2  }
0x5: {  	s5 =	sand.u32 $0x1, s0;
	s0 =	rddreg [dreg:$0x2];
	s12 =	smul.u32 $0x640, s2  }
0x6: {  	[smem:$0x7FF] =	sst s3;
	s11 =	sshll.u32 s2, $0x6;
	s4 =	smul.u32 $0x6400, s5  }
0x7: {  	s7 =	smul.u32 $0x140000, s5;
	_ =	strace $0x80000047;
	s30 =	ssub.s32 $0x2, s5  }
0x8: {  	s5 =	sadd.s32 $0xEC00, s6;
	s31 =	sshrl.u32 s30, $0x1;
	s10 =	sshrl.u32 s10, $0x2  }
0x9: {  	s9 =	sadd.s32 s4, s6;
	s4 =	sadd.s32 $0xE400, s6;
	s7 =	sadd.s32 s8, s7  }
0xa: {  	s8 =	ssub.s32 s30, s31;
	s10 =	sadd.s32 s10, s1;
	s7 =	sshrl.u32 s7, $0x3  }
0xb: {  	s8 =	smax.u32 s8, $0x1;
	s9 =	sadd.s32 s12, s9;
	s10 =	sshrl.u32 s10, $0x3  }
0xc: {  	s12 =	simm.s32 $0x3400;
	s7 =	sadd.s32 s7, s6;
	s6 =	sor.u32 $0x1C01, s11  }
0xd: {  	s9 =	sadd.s32 $0x1C00, s9;
	s11 =	simm.s32 $0x1;
	s7 =	sadd.s32 $0x11400, s7  }
.LBB2_1:
0xe: {  	[spmem:s10], [sflag:s6] =	dma.local [hbm:s5], $0x2800  }
0xf: {  	_ =	swait.ge [sflag:s11], $0x2800  }
0x10: {  	[sflag:s11] =	ssyncset.done $0x0  }
0x11: {  	[sflag:s11] =	ssyncadd.s32 $0xFFFFD800  }
0x12: {  	[tilespmem:s3], [sflag:$0x1] =	stream.linear.gather [hbm4b:s4+s3], $0x3200, $0x38;
	[tilespmem:$0x17480] =	vst v63  }
0x13: {  	_ =	swait.ge [sflag:s11], $0x3200  }
0x14: {  	[sflag:s11] =	ssyncset.done $0x0  }
0x15: {  	[sflag:s11] =	ssyncadd.s32 $0xFFFFCE00  }
0x16: {  	s15 =	sadd.s32 $0x0, s9;
	[bflag:$0x0] =	sbarrier.arrive $0xFFFF  }
0x17: {  	[tilespmem:s12], [sflag:$0x1] =	stream.linear.gather [hbm4b:s15+s3], $0x80, $0x38;
	[tilespmem:$0x17480] =	vst v63  }
0x18: {  	_ =	swait.ge [sflag:s11], $0x80  }
0x19: {  	[sflag:s11] =	ssyncset.done $0x0  }
0x1a: {  	[sflag:s11] =	ssyncadd.s32 $0xFFFFFF80  }
0x1b: {  	[spmem:s1] =	stream.indirect.scatter.add.f32 [tilespmem:s3], [sflag:$0x1], $0x80, s12, s13, $0xb8;
	[tilespmem:$0x17480] =	vst v63  }
0x1c: {  	_ =	swait.ge [sflag:s11], $0x3200  }
0x1d: {  	s16 =	simm.s32 $0x20;
	s15 =	simm.s32 $0x10;
	[sflag:s11] =	ssyncset.done $0x0  }
.LBB2_2:
0x1e: {  	s17 =	sadd.s32 s15, s9  }
0x1f: {  	[sflag:s11] =	ssyncadd.s32 $0xFFFFCE00;
	s15 =	smov.u32 s16;
	s18 =	sadd.s32 $0x10, s16  }
0x20: {  	[tilespmem:s12], [sflag:$0x1] =	stream.linear.gather [hbm4b:s17+s3], $0x80, $0x38;
	[tilespmem:$0x17480] =	vst v63  }
0x21: {  	p0 =	sne.s32 s16, $0x630;
	_ =	swait.ge [sflag:s11], $0x80  }
.Ltmp0:
0x22: {  	[sflag:s11] =	ssyncset.done $0x0;
	(pc) =	sbr.rel @p0 .LBB2_2-.Ltmp0, $4  }
0x23: {  	[sflag:s11] =	ssyncadd.s32 $0xFFFFFF80  }
0x24: {  	[spmem:s1] =	stream.indirect.scatter.add.f32 [tilespmem:s3], [sflag:$0x1], $0x80, s12, s13, $0xb8;
	[tilespmem:$0x17480] =	vst v63  }
0x25: {  	_ =	swait.ge [sflag:s11], $0x3200  }
0x26: {  	s16 =	smov.u32 s18;
	[sflag:s11] =	ssyncset.done $0x0  }
0x27: {  	s15 =	sadd.s32 s15, s9;
	[sflag:s11] =	ssyncadd.s32 $0xFFFFCE00  }
0x28: {  	[tilespmem:s12], [sflag:$0x1] =	stream.linear.gather [hbm4b:s15+s3], $0x80, $0x38;
	[tilespmem:$0x17480] =	vst v63  }
0x29: {  	_ =	swait.ge [sflag:s11], $0x80  }
0x2a: {  	[sflag:s11] =	ssyncset.done $0x0  }
0x2b: {  	[sflag:s11] =	ssyncadd.s32 $0xFFFFFF80  }
0x2c: {  	[spmem:s1] =	stream.indirect.scatter.add.f32 [tilespmem:s3], [sflag:$0x1], $0x80, s12, s13, $0xb8;
	[tilespmem:$0x17480] =	vst v63  }
0x2d: {  	_ =	swait.ge [sflag:s11], $0x3200  }
0x2e: {  	s14 =	sadd.s32 $0x1, s14;
	[sflag:s11] =	ssyncset.done $0x0  }
0x2f: {  	p0 =	sne.s32 s14, s8;
	[sflag:s11] =	ssyncadd.s32 $0xFFFFCE00  }
.Ltmp1:
0x30: {  	[bflag:$0x0] =	sbarrier.arrive $0xFFFF;
	(pc) =	sbr.rel @p0 .LBB2_1-.Ltmp1, $4  }
0x31: {  	[hbm:s7], [sflag:s6] =	dma.local [spmem:s10], $0x2800  }
0x32: {  	_ =	swait.ge [sflag:s11], $0x2800  }
0x33: {  	[sflag:s11] =	ssyncset.done $0x0  }
0x34: {  	[sflag:s11] =	ssyncadd.s32 $0xFFFFD800  }
0x35: {  	_ =	sfence.sel $0x180000  }
0x36: {  	[bflag:$0x0] =	sbarrier.arrive $0xFFFF  }
0x37: {  	p0 =	sne.s32 s2, $0x0;
	_ =	strace $0x90000047  }
0x38: {  	s0 =	sadd.s32 @!p0 $0x100000, s0;
	[bflag:$0x2] =	sbarrier.arrive $0xFFFF  }
0x39: {  	[sflag:s0] =	ssyncadd.tile.s32 @!p0 $0x1;
	_ =	shalt  }
.Lfunc_end2:
_tile_overlayer_lowered:
.L_overlay_start_2:
0x3a: {  	(tag) =	ssettag $0x2  }
0x3b: {  	s0 =	rddreg [dreg:$0x0];
	s2 =	stileid.u32  }
0x3c: {  	s1 =	rddreg [dreg:$0x1];
	p0 =	sne.s32 s2, $0x0  }
0x3d: {  	s3 =	rddreg [dreg:$0x2];
	[bflag:$0x3] =	sbarrier.arrive $0xFFFF;
	s2 =	simm.s32 @!p0 $0x1C01  }
0x3e: {  	[timem:s3], [sflag:s2] =	dma.local @!p0 [hbm:s0], s1  }
0x3f: {  	s0 =	simm.s32 @!p0 $0x1  }
0x40: {  	_ =	swait.ge @!p0 [sflag:s0], s1  }
0x41: {  	s1 =	ssub.s32 @!p0 $0x0, s1;
	[sflag:s0] =	ssyncset.done @!p0 $0x0  }
0x42: {  	[sflag:s0] =	ssyncadd.s32 @!p0 s1  }
0x43: {  	[bflag:$0x3] =	sbarrier.arrive $0xFFFF  }
0x44: {  	_ =	shalt  }

</sc_bundles>
